<compile_context>
chip_gen: v7x
topology: tpu7x:2x2x1
jax: 0.10.2.dev20260603
libtpu: 0.0.44.dev20260713+nightly
codegen_flags: <defaults>
</compile_context>

<pallas_src>
import jax
import jax.numpy as jnp
from jax.experimental import pallas as pl
from jax.experimental.pallas import tpu as pltpu
from jax.experimental.pallas import tpu_sc as plsc

E = 64
K = 2
D = 1024
F = 768
T = 2048
A = T * K
R = 64
NPAD = A + E * (R - 1)
NT = NPAD // R
TB = 256
CW = 16


def _router_body(x_ref, gw_ref, idx_ref, w_ref):
    logits = jnp.dot(x_ref[...], gw_ref[...],
                     preferred_element_type=jnp.float32)
    iot = jax.lax.broadcasted_iota(jnp.int32, logits.shape, 1)
    m1 = jnp.max(logits, axis=1, keepdims=True)
    a1 = jnp.min(jnp.where(logits == m1, iot, E), axis=1, keepdims=True)
    l2 = jnp.where(iot == a1, -jnp.inf, logits)
    m2 = jnp.max(l2, axis=1, keepdims=True)
    a2 = jnp.min(jnp.where(l2 == m2, iot, E), axis=1, keepdims=True)
    w1 = 1.0 / (1.0 + jnp.exp(m2 - m1))
    idx_ref[...] = jnp.concatenate([a1, a2], axis=1).astype(jnp.int32)
    w_ref[...] = jnp.concatenate([w1, 1.0 - w1], axis=1)


def _router(x, gate_w):
    return pl.pallas_call(
        _router_body,
        grid=(T // TB,),
        in_specs=[
            pl.BlockSpec((TB, D), lambda t: (t, 0)),
            pl.BlockSpec((D, E), lambda t: (0, 0)),
        ],
        out_specs=[
            pl.BlockSpec((TB, K), lambda t: (t, 0)),
            pl.BlockSpec((TB, K), lambda t: (t, 0)),
        ],
        out_shape=[
            jax.ShapeDtypeStruct((T, K), jnp.int32),
            jax.ShapeDtypeStruct((T, K), jnp.float32),
        ],
    )(x, gate_w)


def _dispatch_metadata(topk_idx, topk_w):
    flat_e = topk_idx.reshape(-1)
    flat_w = topk_w.reshape(-1)
    flat_t = jnp.arange(A, dtype=jnp.int32) // K
    order = jnp.argsort(flat_e)
    sorted_e = flat_e[order]
    counts = jnp.zeros((E,), jnp.int32).at[flat_e].add(1)
    padded = ((counts + R - 1) // R) * R
    pad_end = jnp.cumsum(padded)
    pad_start = pad_end - padded
    start = jnp.cumsum(counts) - counts
    pos_sorted = pad_start[sorted_e] + jnp.arange(A, dtype=jnp.int32) - start[sorted_e]
    row_token = jnp.zeros((NPAD, 1), jnp.int32).at[pos_sorted, 0].set(flat_t[order])
    row_weight = jnp.zeros((NPAD, 1), jnp.float32).at[pos_sorted, 0].set(flat_w[order])
    tile_expert = jnp.minimum(
        jnp.searchsorted(pad_end, jnp.arange(NT, dtype=jnp.int32) * R, side="right"),
        E - 1,
    ).astype(jnp.int32)
    pos = jnp.zeros((A,), jnp.int32).at[order].set(pos_sorted).reshape(T, K)
    return tile_expert, row_token, row_weight, pos[:, 0], pos[:, 1]


def _moe_body(te_ref, x_ref, rt_ref, wgu_ref, wd_ref, rw_ref, ys_ref):
    rt = rt_ref[...]
    iota_t = jax.lax.broadcasted_iota(jnp.int32, (R, T), 1)
    onehot = (rt == iota_t).astype(jnp.bfloat16)
    xb = jnp.dot(onehot, x_ref[...],
                 preferred_element_type=jnp.float32)
    wgu = wgu_ref[0].astype(jnp.bfloat16)
    gu = jnp.dot(xb.astype(jnp.bfloat16), wgu,
                 preferred_element_type=jnp.float32)
    g = gu[:, :F]
    u = gu[:, F:]
    h = (g * jax.lax.logistic(g)) * u
    yd = jnp.dot(h.astype(jnp.bfloat16), wd_ref[0].astype(jnp.bfloat16),
                 preferred_element_type=jnp.float32)
    ys_ref[...] = yd * rw_ref[...]


def _grouped_mlp(tile_expert, x_bf16, row_token, w_gate_up, w_down, row_weight):
    grid_spec = pltpu.PrefetchScalarGridSpec(
        num_scalar_prefetch=1,
        grid=(NT,),
        in_specs=[
            pl.BlockSpec((T, D), lambda t, te: (0, 0)),
            pl.BlockSpec((R, 1), lambda t, te: (t, 0)),
            pl.BlockSpec((1, D, 2 * F), lambda t, te: (te[t], 0, 0)),
            pl.BlockSpec((1, F, D), lambda t, te: (te[t], 0, 0)),
            pl.BlockSpec((R, 1), lambda t, te: (t, 0)),
        ],
        out_specs=pl.BlockSpec((R, D), lambda t, te: (t, 0)),
    )
    return pl.pallas_call(
        _moe_body,
        grid_spec=grid_spec,
        out_shape=jax.ShapeDtypeStruct((NPAD, D), jnp.float32),
        compiler_params=pltpu.CompilerParams(
            dimension_semantics=("parallel",)),
    )(tile_expert, x_bf16, row_token, w_gate_up, w_down, row_weight)


def _sc_combine(ys, pos1, pos2):
    p1 = pos1.reshape(1, T)
    p2 = pos2.reshape(1, T)
    mesh = plsc.VectorSubcoreMesh(core_axis_name="c", subcore_axis_name="s")

    @pl.kernel(
        out_type=jax.ShapeDtypeStruct((T, D), jnp.float32),
        mesh=mesh,
        scratch_types=[pltpu.VMEM((CW, D), jnp.float32),
                       pltpu.VMEM((CW, D), jnp.float32)],
    )
    def combine_kernel(ys_hbm, p1_hbm, p2_hbm, o_hbm, g1, g2):
        def body(p1_vmem, p2_vmem, o_vmem):
            pltpu.sync_copy(ys_hbm.at[p1_vmem.at[0]], g1)
            pltpu.sync_copy(ys_hbm.at[p2_vmem.at[0]], g2)

            @pl.loop(0, CW)
            def _(r):
                @pl.loop(0, D, step=16)
                def _(c):
                    slc = (pl.ds(r, 1), pl.ds(c, 16))
                    o_vmem.at[slc][...] = g1.at[slc][...] + g2.at[slc][...]

        pltpu.emit_pipeline(
            body,
            grid=(T // CW,),
            in_specs=[pl.BlockSpec((1, CW), index_map=lambda i: (0, i)),
                      pl.BlockSpec((1, CW), index_map=lambda i: (0, i))],
            out_specs=[pl.BlockSpec((CW, D), index_map=lambda i: (i, 0))],
            core_axis_name=("c", "s"),
            dimension_semantics=(pltpu.PARALLEL,),
        )(p1_hbm, p2_hbm, o_hbm)

    return combine_kernel(ys, p1, p2)


def kernel(hidden_states, gate_w, w_gate_up, w_down):
    x = hidden_states
    topk_idx, topk_w = _router(x, gate_w)
    tile_expert, row_token, row_weight, pos1, pos2 = _dispatch_metadata(
        topk_idx, topk_w)
    ys = _grouped_mlp(tile_expert, x.astype(jnp.bfloat16), row_token,
                      w_gate_up, w_down, row_weight)
    return ys[pos1] + ys[pos2]

# --- scband reference (transcript-rebuilt; emitter-appended) ---
"""Pipeline reference for scband-hybrid-qwen3-moe-model-16690242912524 (READ-ONLY COPY).

The authoritative reference and input builder live on the scoring server;
editing this copy changes nothing except your own understanding.
"""

import jax, jax.numpy as jnp
import numpy as np

E = 64      # num_experts
K = 2       # num_experts_per_tok (top_k)
D = 1024    # hidden_size
F = 768     # moe_intermediate_size
T = 2048    # num_tokens (batch 1 x seq_len 2048)


def setup_inputs(seed: int = 0) -> dict:
    key = jax.random.key(seed)
    ks = jax.random.split(key, 4)
    hidden_states = jax.random.normal(ks[0], (T, D), dtype=jnp.float32)
    gate_w = jax.random.normal(ks[1], (D, E), dtype=jnp.float32) * 0.02
    w_gate_up = jax.random.normal(ks[2], (E, D, 2 * F), dtype=jnp.float32) * 0.02
    w_down = jax.random.normal(ks[3], (E, F, D), dtype=jnp.float32) * 0.02
    return {
        "hidden_states": hidden_states,
        "gate_w": gate_w,
        "w_gate_up": w_gate_up,
        "w_down": w_down,
    }


def reference(hidden_states, gate_w, w_gate_up, w_down):
    # Qwen3MoeSparseMoeBlock forward (no shared expert: shared_expert_intermediate_size=0)
    x = hidden_states  # [T, D]
    # router (ReplicatedLinear gate, bias=False)
    router_logits = x @ gate_w  # [T, E]
    probs = jax.nn.softmax(router_logits, axis=-1)
    routing_weights, topk_idx = jax.lax.top_k(probs, K)  # [T, K]
    # renormalize (norm_topk_prob=True)
    routing_weights = routing_weights / jnp.sum(routing_weights, axis=-1, keepdims=True)
    num_experts = w_gate_up.shape[0]

    def body(e, out):
        w = jnp.sum(
            jnp.where(topk_idx == e, routing_weights, jnp.zeros_like(routing_weights)),
            axis=-1,
            keepdims=True,
        )  # [T, 1]; per-token routed weight for expert e (zero if not routed)
        gu = x @ w_gate_up[e]  # MergedColumnParallelLinear gate_up_proj
        g, u = jnp.split(gu, 2, axis=-1)
        h = jax.nn.silu(g) * u  # SiluAndMul
        ye = h @ w_down[e]      # down_proj
        return out + w * ye     # masked combine (exact zeros for non-routed tokens)

    out = jax.lax.fori_loop(0, num_experts, body, jnp.zeros_like(x))
    return out

if __name__ == "__main__":
    import jax
    _d = setup_inputs()
    print(jax.jit(kernel)(*tuple(_d.values())))

</pallas_src>

<mosaic_0001>
module attributes {stable_mosaic.version = 14 : i64} {
  func.func @_router_body(%arg0: i32, %arg1: memref<256x1024xf32, #tpu.memory_space<vmem>>, %arg2: memref<1024x64xf32, #tpu.memory_space<vmem>>, %arg3: memref<256x2xi32, #tpu.memory_space<vmem>>, %arg4: memref<256x2xf32, #tpu.memory_space<vmem>>) attributes {dimension_semantics = [#tpu.dimension_semantics<arbitrary>], iteration_bounds = array<i64: 8>, scalar_prefetch = 0 : i64, scratch_operands = 0 : i64, tpu.core_type = #tpu.core_type<tc>, window_params = [{transform_indices = @transform_0, window_bounds = array<i64: 256, 1024>}, {pipeline_mode = #tpu.pipeline_mode<synchronous>, transform_indices = @transform_1, window_bounds = array<i64: 1024, 64>}, {transform_indices = @transform_2, window_bounds = array<i64: 256, 2>}, {transform_indices = @transform_3, window_bounds = array<i64: 256, 2>}]} {
    %get3A = arith.constant 0 : index
    %get3A_0 = arith.constant 0 : index
    %get3A_1 = vector.load %arg1[%get3A, %get3A_0] : memref<256x1024xf32, #tpu.memory_space<vmem>>, vector<256x1024xf32>
    %get3A_2 = arith.constant 0 : index
    %get3A_3 = arith.constant 0 : index
    %get3A_4 = vector.load %arg2[%get3A_2, %get3A_3] : memref<1024x64xf32, #tpu.memory_space<vmem>>, vector<1024x64xf32>
    %dot_general3A = arith.constant dense<0.000000e+00> : vector<256x64xf32>
    %dot_general3A_5 = tpu.matmul %get3A_1, %get3A_4, %dot_general3A {dimension_numbers = #tpu.dot_dimension_numbers<[1], [0], [0], [1], [0, 0, 1, 1], [], []>, transpose_lhs_hint = false} : vector<256x1024xf32>, vector<1024x64xf32>, vector<256x64xf32> -> vector<256x64xf32>
    %iota3A = tpu.iota {dimensions = array<i32: 1>} : vector<256x64xi32>
    %reduce_max3A = arith.constant dense<0xFF800000> : vector<256xf32>
    %reduce_max3A_6 = vector.multi_reduction <maximumf>, %dot_general3A_5, %reduce_max3A [1] : vector<256x64xf32> to vector<256xf32>
    %broadcast_in_dim3A = vector.shape_cast %reduce_max3A_6 : vector<256xf32> to vector<256x1xf32>
    %eq3A = vector.broadcast %broadcast_in_dim3A : vector<256x1xf32> to vector<256x64xf32>
    %eq3A_7 = arith.cmpf oeq, %dot_general3A_5, %eq3A : vector<256x64xf32>
    %jit3A = arith.constant 64 : i32
    %broadcast_in_dim3A_8 = vector.broadcast %jit3A : i32 to vector<256x64xi32>
    %select_n3A = arith.select %eq3A_7, %iota3A, %broadcast_in_dim3A_8 : vector<256x64xi1>, vector<256x64xi32>
    %reduce_min3A = arith.constant dense<2147483647> : vector<256xi32>
    %reduce_min3A_9 = vector.multi_reduction <minsi>, %select_n3A, %reduce_min3A [1] : vector<256x64xi32> to vector<256xi32>
    %broadcast_in_dim3A_10 = vector.shape_cast %reduce_min3A_9 : vector<256xi32> to vector<256x1xi32>
    %eq3A_11 = vector.broadcast %broadcast_in_dim3A_10 : vector<256x1xi32> to vector<256x64xi32>
    %eq3A_12 = arith.cmpi eq, %iota3A, %eq3A_11 : vector<256x64xi32>
    %jit3A_13 = arith.constant 0xFF800000 : f32
    %broadcast_in_dim3A_14 = vector.broadcast %jit3A_13 : f32 to vector<256x64xf32>
    %select_n3A_15 = arith.select %eq3A_12, %broadcast_in_dim3A_14, %dot_general3A_5 : vector<256x64xi1>, vector<256x64xf32>
    %reduce_max3A_16 = arith.constant dense<0xFF800000> : vector<256xf32>
    %reduce_max3A_17 = vector.multi_reduction <maximumf>, %select_n3A_15, %reduce_max3A_16 [1] : vector<256x64xf32> to vector<256xf32>
    %broadcast_in_dim3A_18 = vector.shape_cast %reduce_max3A_17 : vector<256xf32> to vector<256x1xf32>
    %eq3A_19 = vector.broadcast %broadcast_in_dim3A_18 : vector<256x1xf32> to vector<256x64xf32>
    %eq3A_20 = arith.cmpf oeq, %select_n3A_15, %eq3A_19 : vector<256x64xf32>
    %jit3A_21 = arith.constant 64 : i32
    %broadcast_in_dim3A_22 = vector.broadcast %jit3A_21 : i32 to vector<256x64xi32>
    %select_n3A_23 = arith.select %eq3A_20, %iota3A, %broadcast_in_dim3A_22 : vector<256x64xi1>, vector<256x64xi32>
    %reduce_min3A_24 = arith.constant dense<2147483647> : vector<256xi32>
    %reduce_min3A_25 = vector.multi_reduction <minsi>, %select_n3A_23, %reduce_min3A_24 [1] : vector<256x64xi32> to vector<256xi32>
    %broadcast_in_dim3A_26 = vector.shape_cast %reduce_min3A_25 : vector<256xi32> to vector<256x1xi32>
    %sub3A = arith.subf %broadcast_in_dim3A_18, %broadcast_in_dim3A : vector<256x1xf32>
    %exp3A = math.exp %sub3A : vector<256x1xf32>
    %add3A = arith.constant 1.000000e+00 : f32
    %add3A_27 = vector.broadcast %add3A : f32 to vector<256x1xf32>
    %add3A_28 = arith.addf %add3A_27, %exp3A : vector<256x1xf32>
    %div3A = arith.constant 1.000000e+00 : f32
    %div3A_29 = vector.broadcast %div3A : f32 to vector<256x1xf32>
    %div3A_30 = arith.divf %div3A_29, %add3A_28 : vector<256x1xf32>
    %concatenate3A = tpu.concatenate %broadcast_in_dim3A_10, %broadcast_in_dim3A_26 in 1 : vector<256x1xi32>, vector<256x1xi32> -> vector<256x2xi32>
    %swap3A = arith.constant 0 : index
    %swap3A_31 = arith.constant 0 : index
    %swap3A_32 = vector.load %arg3[%swap3A, %swap3A_31] : memref<256x2xi32, #tpu.memory_space<vmem>>, vector<256x2xi32>
    tpu.vector_store %arg3[%swap3A, %swap3A_31], %concatenate3A {strides = array<i32>} : memref<256x2xi32, #tpu.memory_space<vmem>>, vector<256x2xi32>,
    %sub3A_33 = arith.constant 1.000000e+00 : f32
    %sub3A_34 = vector.broadcast %sub3A_33 : f32 to vector<256x1xf32>
    %sub3A_35 = arith.subf %sub3A_34, %div3A_30 : vector<256x1xf32>
    %concatenate3A_36 = tpu.concatenate %div3A_30, %sub3A_35 in 1 : vector<256x1xf32>, vector<256x1xf32> -> vector<256x2xf32>
    %swap3A_37 = arith.constant 0 : index
    %swap3A_38 = arith.constant 0 : index
    %swap3A_39 = vector.load %arg4[%swap3A_37, %swap3A_38] : memref<256x2xf32, #tpu.memory_space<vmem>>, vector<256x2xf32>
    tpu.vector_store %arg4[%swap3A_37, %swap3A_38], %concatenate3A_36 {strides = array<i32>} : memref<256x2xf32, #tpu.memory_space<vmem>>, vector<256x2xf32>,
    return
  }
  func.func @transform_0(%arg0: i32) -> (i32, i32) {
    %c0_i32 = arith.constant 0 : i32
    %c0_i32_0 = arith.constant 0 : i32
    return %arg0, %c0_i32 : i32, i32
  }
  func.func @transform_1(%arg0: i32) -> (i32, i32) {
    %c0_i32 = arith.constant 0 : i32
    %c0_i32_0 = arith.constant 0 : i32
    %c0_i32_1 = arith.constant 0 : i32
    return %c0_i32, %c0_i32_0 : i32, i32
  }
  func.func @transform_2(%arg0: i32) -> (i32, i32) {
    %c0_i32 = arith.constant 0 : i32
    %c0_i32_0 = arith.constant 0 : i32
    return %arg0, %c0_i32 : i32, i32
  }
  func.func @transform_3(%arg0: i32) -> (i32, i32) {
    %c0_i32 = arith.constant 0 : i32
    %c0_i32_0 = arith.constant 0 : i32
    return %arg0, %c0_i32 : i32, i32
  }
}

module attributes {stable_mosaic.version = 14 : i64} {
  func.func @_moe_body(%arg0: i32, %arg1: memref<127xi32, #tpu.memory_space<smem>>, %arg2: memref<2048x1024xbf16, #tpu.memory_space<vmem>>, %arg3: memref<64x1xi32, #tpu.memory_space<vmem>>, %arg4: memref<1x1024x1536xf32, #tpu.memory_space<vmem>>, %arg5: memref<1x768x1024xf32, #tpu.memory_space<vmem>>, %arg6: memref<64x1xf32, #tpu.memory_space<vmem>>, %arg7: memref<64x1024xf32, #tpu.memory_space<vmem>>) attributes {dimension_semantics = [#tpu.dimension_semantics<parallel>], iteration_bounds = array<i64: 127>, scalar_prefetch = 1 : i64, scratch_operands = 0 : i64, tpu.core_type = #tpu.core_type<tc>, window_params = [{pipeline_mode = #tpu.pipeline_mode<synchronous>, transform_indices = @transform_0, window_bounds = array<i64: 2048, 1024>}, {transform_indices = @transform_1, window_bounds = array<i64: 64, 1>}, {transform_indices = @transform_2, window_bounds = array<i64: 1, 1024, 1536>}, {transform_indices = @transform_3, window_bounds = array<i64: 1, 768, 1024>}, {transform_indices = @transform_4, window_bounds = array<i64: 64, 1>}, {transform_indices = @transform_5, window_bounds = array<i64: 64, 1024>}]} {
    %get3A = arith.constant 0 : index
    %get3A_0 = arith.constant 0 : index
    %get3A_1 = vector.load %arg3[%get3A, %get3A_0] : memref<64x1xi32, #tpu.memory_space<vmem>>, vector<64x1xi32>
    %iota3A = tpu.iota {dimensions = array<i32: 1>} : vector<64x2048xi32>
    %eq3A = vector.broadcast %get3A_1 : vector<64x1xi32> to vector<64x2048xi32>
    %eq3A_2 = arith.cmpi eq, %eq3A, %iota3A : vector<64x2048xi32>
    %convert_element_type3A = arith.extui %eq3A_2 : vector<64x2048xi1> to vector<64x2048xi32>
    %convert_element_type3A_3 = arith.sitofp %convert_element_type3A : vector<64x2048xi32> to vector<64x2048xf32>
    %convert_element_type3A_4 = arith.truncf %convert_element_type3A_3 : vector<64x2048xf32> to vector<64x2048xbf16>
    %get3A_5 = arith.constant 0 : index
    %get3A_6 = arith.constant 0 : index
    %get3A_7 = vector.load %arg2[%get3A_5, %get3A_6] : memref<2048x1024xbf16, #tpu.memory_space<vmem>>, vector<2048x1024xbf16>
    %dot_general3A = arith.constant dense<0.000000e+00> : vector<64x1024xf32>
    %dot_general3A_8 = tpu.matmul %convert_element_type3A_4, %get3A_7, %dot_general3A {dimension_numbers = #tpu.dot_dimension_numbers<[1], [0], [0], [1], [0, 0, 1, 1], [], []>, transpose_lhs_hint = false} : vector<64x2048xbf16>, vector<2048x1024xbf16>, vector<64x1024xf32> -> vector<64x1024xf32>
    %get3A_9 = arith.constant 0 : index
    %get3A_10 = arith.constant 0 : index
    %get3A_11 = arith.constant 0 : index
    %get3A_12 = vector.load %arg4[%get3A_9, %get3A_10, %get3A_11] : memref<1x1024x1536xf32, #tpu.memory_space<vmem>>, vector<1x1024x1536xf32>
    %get3A_13 = vector.shape_cast %get3A_12 : vector<1x1024x1536xf32> to vector<1024x1536xf32>
    %convert_element_type3A_14 = arith.truncf %get3A_13 : vector<1024x1536xf32> to vector<1024x1536xbf16>
    %convert_element_type3A_15 = arith.truncf %dot_general3A_8 : vector<64x1024xf32> to vector<64x1024xbf16>
    %dot_general3A_16 = arith.constant dense<0.000000e+00> : vector<64x1536xf32>
    %dot_general3A_17 = tpu.matmul %convert_element_type3A_15, %convert_element_type3A_14, %dot_general3A_16 {dimension_numbers = #tpu.dot_dimension_numbers<[1], [0], [0], [1], [0, 0, 1, 1], [], []>, transpose_lhs_hint = false} : vector<64x1024xbf16>, vector<1024x1536xbf16>, vector<64x1536xf32> -> vector<64x1536xf32>
    %slice3A = vector.extract_strided_slice %dot_general3A_17 {offsets = [0, 0], sizes = [64, 768], strides = [1, 1]} : vector<64x1536xf32> to vector<64x768xf32>
    %slice3A_18 = vector.extract_strided_slice %dot_general3A_17 {offsets = [0, 768], sizes = [64, 768], strides = [1, 1]} : vector<64x1536xf32> to vector<64x768xf32>
    %logistic3A = arith.negf %slice3A : vector<64x768xf32>
    %logistic3A_19 = math.exp %logistic3A : vector<64x768xf32>
    %logistic3A_20 = arith.constant 1.000000e+00 : f32
    %logistic3A_21 = vector.broadcast %logistic3A_20 : f32 to vector<64x768xf32>
    %logistic3A_22 = arith.addf %logistic3A_21, %logistic3A_19 : vector<64x768xf32>
    %logistic3A_23 = arith.divf %logistic3A_21, %logistic3A_22 : vector<64x768xf32>
    %mul3A = arith.mulf %slice3A, %logistic3A_23 : vector<64x768xf32>
    %mul3A_24 = arith.mulf %mul3A, %slice3A_18 : vector<64x768xf32>
    %convert_element_type3A_25 = arith.truncf %mul3A_24 : vector<64x768xf32> to vector<64x768xbf16>
    %get3A_26 = arith.constant 0 : index
    %get3A_27 = arith.constant 0 : index
    %get3A_28 = arith.constant 0 : index
    %get3A_29 = vector.load %arg5[%get3A_26, %get3A_27, %get3A_28] : memref<1x768x1024xf32, #tpu.memory_space<vmem>>, vector<1x768x1024xf32>
    %get3A_30 = vector.shape_cast %get3A_29 : vector<1x768x1024xf32> to vector<768x1024xf32>
    %convert_element_type3A_31 = arith.truncf %get3A_30 : vector<768x1024xf32> to vector<768x1024xbf16>
    %dot_general3A_32 = arith.constant dense<0.000000e+00> : vector<64x1024xf32>
    %dot_general3A_33 = tpu.matmul %convert_element_type3A_25, %convert_element_type3A_31, %dot_general3A_32 {dimension_numbers = #tpu.dot_dimension_numbers<[1], [0], [0], [1], [0, 0, 1, 1], [], []>, transpose_lhs_hint = false} : vector<64x768xbf16>, vector<768x1024xbf16>, vector<64x1024xf32> -> vector<64x1024xf32>
    %get3A_34 = arith.constant 0 : index
    %get3A_35 = arith.constant 0 : index
    %get3A_36 = vector.load %arg6[%get3A_34, %get3A_35] : memref<64x1xf32, #tpu.memory_space<vmem>>, vector<64x1xf32>
    %mul3A_37 = vector.broadcast %get3A_36 : vector<64x1xf32> to vector<64x1024xf32>
    %mul3A_38 = arith.mulf %dot_general3A_33, %mul3A_37 : vector<64x1024xf32>
    %swap3A = arith.constant 0 : index
    %swap3A_39 = arith.constant 0 : index
    %swap3A_40 = vector.load %arg7[%swap3A, %swap3A_39] : memref<64x1024xf32, #tpu.memory_space<vmem>>, vector<64x1024xf32>
    tpu.vector_store %arg7[%swap3A, %swap3A_39], %mul3A_38 {strides = array<i32>} : memref<64x1024xf32, #tpu.memory_space<vmem>>, vector<64x1024xf32>,
    return
  }
  func.func @transform_0(%arg0: i32, %arg1: memref<127xi32, #tpu.memory_space<smem>>) -> (i32, i32) {
    %c0_i32 = arith.constant 0 : i32
    %c0_i32_0 = arith.constant 0 : i32
    %c0_i32_1 = arith.constant 0 : i32
    return %c0_i32, %c0_i32_0 : i32, i32
  }
  func.func @transform_1(%arg0: i32, %arg1: memref<127xi32, #tpu.memory_space<smem>>) -> (i32, i32) {
    %c0_i32 = arith.constant 0 : i32
    %c0_i32_0 = arith.constant 0 : i32
    return %arg0, %c0_i32 : i32, i32
  }
  func.func @transform_2(%arg0: i32, %arg1: memref<127xi32, #tpu.memory_space<smem>>) -> (i32, i32, i32) {
    %get3A = arith.index_cast %arg0 : i32 to index
    %get3A_0 = memref.load %arg1[%get3A] : memref<127xi32, #tpu.memory_space<smem>>
    %c0_i32 = arith.constant 0 : i32
    %c0_i32_1 = arith.constant 0 : i32
    %c0_i32_2 = arith.constant 0 : i32
    return %get3A_0, %c0_i32, %c0_i32_1 : i32, i32, i32
  }
  func.func @transform_3(%arg0: i32, %arg1: memref<127xi32, #tpu.memory_space<smem>>) -> (i32, i32, i32) {
    %get3A = arith.index_cast %arg0 : i32 to index
    %get3A_0 = memref.load %arg1[%get3A] : memref<127xi32, #tpu.memory_space<smem>>
    %c0_i32 = arith.constant 0 : i32
    %c0_i32_1 = arith.constant 0 : i32
    %c0_i32_2 = arith.constant 0 : i32
    return %get3A_0, %c0_i32, %c0_i32_1 : i32, i32, i32
  }
  func.func @transform_4(%arg0: i32, %arg1: memref<127xi32, #tpu.memory_space<smem>>) -> (i32, i32) {
    %c0_i32 = arith.constant 0 : i32
    %c0_i32_0 = arith.constant 0 : i32
    return %arg0, %c0_i32 : i32, i32
  }
  func.func @transform_5(%arg0: i32, %arg1: memref<127xi32, #tpu.memory_space<smem>>) -> (i32, i32) {
    %c0_i32 = arith.constant 0 : i32
    %c0_i32_0 = arith.constant 0 : i32
    return %arg0, %c0_i32 : i32, i32
  }
}

</mosaic_0001>

<sc_bundles>
// kernel: gather_offload_async_start.1
scs
__scs_entry_jumppad:
0x0: {  	(pc) =	sbr.rel $0x88, $3  }
0x1: {  	(tag) =	ssettag $0x0;
	lr =	simm.s32 $0x1  }
0x2: {  	[smem:$0x3F9D] =	sst lr;
	_ =	strace $0xD0000000  }
0x3: {  	_ = 	snop  }
0x4: {  	_ = 	snop  }
0x5: {  	_ = 	snop  }
0x6: {  	_ = 	snop  }
0x7: {  	_ = 	snop  }
__scs_overlays_trampoline_lowered:
0x8: {  	[smem:$0x3FAC] =	sst s0  }
0x9: {  	[smem:$0x3FAD] =	sst s1  }
0xa: {  	[smem:$0x3FAE] =	sst s2  }
0xb: {  	[smem:$0x3FAF] =	sst s3  }
0xc: {  	[smem:$0x3FB0] =	sst s4  }
0xd: {  	[smem:$0x3FB1] =	sst s5  }
0xe: {  	[smem:$0x3FB2] =	sst s6  }
0xf: {  	[smem:$0x3FB3] =	sst s7  }
0x10: {  	[smem:$0x3FB4] =	sst s8  }
0x11: {  	[smem:$0x3FB5] =	sst s9;
	s0 =	simm.s32 @!p0 $0x0  }
0x12: {  	s1 =	sld [smem:$0x3F9B];
	s0 =	simm.s32 @p0 $0x1  }
0x13: {  	[smem:$0x3FB6] =	sst s0;
	s0 =	simm.s32 @!p1 $0x0  }
0x14: {  	s2 =	sld [smem:$0x3F9A];
	s0 =	simm.s32 @p1 $0x1  }
0x15: {  	[smem:$0x3FB7] =	sst s0;
	s0 =	simm.s32 @!p2 $0x0  }
0x16: {  	s3 =	sld [smem:$0x3FDB];
	s0 =	simm.s32 @p2 $0x1  }
0x17: {  	s4 =	simm.s32 $0x1BF5;
	[smem:$0x3FB9] =	sst s0  }
0x18: {  	s0 =	sld [smem:$0x3F9C];
	_ =	swait.ge [sflag:s4], $0x0  }
0x19: {  	s7 =	sld [smem:$0x3F9D]  }
0x1a: {  	s8 =	sadd.s32 $0xFFFFE003, lr  }
0x1b: {  	s9 =	sadd.s32 $0xFFFFFEF7, lr;
	s5 =	simm.s32 $0xFFFFFFFF;
	p2 =	slt.u32 s8, $0xFFFFF086  }
0x1c: {  	p1 =	slt.u32 s9, $0xF7A;
	s5 =	simm.s32 @!p2 $0x0  }
0x1d: {  	s5 =	simm.s32 @p1 $0x1;
	p0 =	seq.s32 s7, s2  }
0x1e: {  	s7 =	smul.u32 @!p0 $0xF7A, s2;
	p2 =	seq.s32 @!p0 s5, $0x0  }
0x1f: {  	s9 =	smul.u32 $0xF7A, s1;
	s8 =	simm.s32 @!p0 $0x1BF5;
	p2 =	por !p2, p0  }
0x20: {  	[sflag:s8] =	ssyncset.s32 @!p0 $0xFFFFF086;
	s6 =	sadd.s32 @!p0 s3, s7;
	s7 =	simm.s32 @!p0 $0x108  }
0x21: {  	s3 =	sadd.s32 s3, s9;
	s6 =	sadd.s32 @!p0 $0x88, s6;
	s7 =	simm.s32 @p2 $0x1082  }
0x22: {  	[simem:s7], [sflag:s8] =	dma.local @!p0 [hbm:s6], $0xF7A  }
0x23: {  	s9 =	sor.u32 $0xD0000000, s2;
	s6 =	simm.s32 $0x108;
	_ =	swait.ge @!p0 [sflag:s8], $0x0  }
0x24: {  	s3 =	sadd.s32 $0x88, s3;
	s6 =	simm.s32 @!p1 $0x1082;
	[sflag:s4] =	ssyncset.s32 $0xFFFFF086  }
0x25: {  	[simem:s6], [sflag:s4] =	dma.local [hbm:s3], $0xF7A  }
0x26: {  	[smem:$0x3F9D] =	sst s1;
	(tag) =	ssettag s2;
	_ =	strace s9  }
0x27: {  	s1 =	sld [smem:$0x3FAD]  }
0x28: {  	s2 =	sld [smem:$0x3FAE]  }
0x29: {  	s4 =	sld [smem:$0x3FB0]  }
0x2a: {  	p0 =	seq.s32 s5, $0x0;
	s5 =	sld [smem:$0x3FB1]  }
0x2b: {  	s6 =	sld [smem:$0x3FB2]  }
0x2c: {  	s7 =	sld [smem:$0x3FB3]  }
0x2d: {  	s3 =	simm.s32 $0x108;
	s8 =	sld [smem:$0x3FB4]  }
0x2e: {  	s3 =	simm.s32 @!p0 $0x1082;
	s9 =	sld [smem:$0x3FB5]  }
0x2f: {  	lr =	sadd.s32 s0, s3;
	s0 =	sld [smem:$0x3FAC]  }
0x30: {  	s3 =	sld [smem:$0x3FAF]  }
0x31: {  	[smem:$0x3FB8] =	sst s10  }
0x32: {  	s10 =	sld [smem:$0x3FB6];
	_ =	sdelay $0x3  }
0x33: {  	p0 =	seq.s32 s10, $0x1;
	s10 =	sld [smem:$0x3FB8];
	_ =	sdelay $0x3  }
0x34: {  	[smem:$0x3FB8] =	sst s10  }
0x35: {  	s10 =	sld [smem:$0x3FB7];
	_ =	sdelay $0x3  }
0x36: {  	p1 =	seq.s32 s10, $0x1;
	s10 =	sld [smem:$0x3FB8];
	_ =	sdelay $0x3  }
0x37: {  	[smem:$0x3FB8] =	sst s10  }
0x38: {  	s10 =	sld [smem:$0x3FB9]  }
0x39: {  	_ = 	snop;
	(pc) =	sbr.ind lr, $3  }
0x3a: {  	_ = 	snop  }
0x3b: {  	_ = 	snop  }
0x3c: {  	p2 =	seq.s32 s10, $0x1;
	s10 =	sld [smem:$0x3FB8]  }
0x3d: {  	_ =	shalt  }
0x3e: {  	_ =	shalt  }
0x3f: {  	_ =	shalt  }
0x40: {  	_ =	shalt  }
0x41: {  	_ =	shalt  }
0x42: {  	_ =	shalt  }
0x43: {  	_ =	shalt  }
0x44: {  	_ =	shalt  }
0x45: {  	_ =	shalt  }
0x46: {  	_ =	shalt  }
0x47: {  	_ =	shalt  }
0x48: {  	_ =	shalt  }
0x49: {  	_ =	shalt  }
0x4a: {  	_ =	shalt  }
0x4b: {  	_ =	shalt  }
0x4c: {  	_ =	shalt  }
0x4d: {  	_ =	shalt  }
0x4e: {  	_ =	shalt  }
0x4f: {  	_ =	shalt  }
0x50: {  	_ =	shalt  }
0x51: {  	_ =	shalt  }
0x52: {  	_ =	shalt  }
0x53: {  	_ =	shalt  }
0x54: {  	_ =	shalt  }
0x55: {  	_ =	shalt  }
0x56: {  	_ =	shalt  }
0x57: {  	_ =	shalt  }
0x58: {  	_ =	shalt  }
0x59: {  	_ =	shalt  }
0x5a: {  	_ =	shalt  }
0x5b: {  	_ =	shalt  }
0x5c: {  	_ =	shalt  }
0x5d: {  	_ =	shalt  }
0x5e: {  	_ =	shalt  }
0x5f: {  	_ =	shalt  }
0x60: {  	_ =	shalt  }
0x61: {  	_ =	shalt  }
0x62: {  	_ =	shalt  }
0x63: {  	_ =	shalt  }
0x64: {  	_ =	shalt  }
0x65: {  	_ =	shalt  }
0x66: {  	_ =	shalt  }
0x67: {  	_ =	shalt  }
0x68: {  	_ =	shalt  }
0x69: {  	_ =	shalt  }
0x6a: {  	_ =	shalt  }
0x6b: {  	_ =	shalt  }
0x6c: {  	_ =	shalt  }
0x6d: {  	_ =	shalt  }
0x6e: {  	_ =	shalt  }
0x6f: {  	_ =	shalt  }
0x70: {  	_ =	shalt  }
0x71: {  	_ =	shalt  }
0x72: {  	_ =	shalt  }
0x73: {  	_ =	shalt  }
0x74: {  	_ =	shalt  }
0x75: {  	_ =	shalt  }
0x76: {  	_ =	shalt  }
0x77: {  	_ =	shalt  }
0x78: {  	_ =	shalt  }
0x79: {  	_ =	shalt  }
0x7a: {  	_ =	shalt  }
0x7b: {  	_ =	shalt  }
0x7c: {  	_ =	shalt  }
0x7d: {  	_ =	shalt  }
0x7e: {  	_ =	shalt  }
0x7f: {  	_ =	shalt  }
0x80: {  	_ =	shalt  }
0x81: {  	_ =	shalt  }
0x82: {  	_ =	shalt  }
0x83: {  	_ =	shalt  }
0x84: {  	_ =	shalt  }
0x85: {  	_ =	shalt  }
0x86: {  	_ =	shalt  }
0x87: {  	_ =	shalt  }
.Lfunc_end0:
.L_simem_size_0:
called_computation.2_lowered:
.L_overlay_start_0:
0x88: {  	s2 =	sld [smem:$0x3FD9]  }
0x89: {  	s3 =	sld [smem:$0x3FFE];
	_ =	sdelay $0x1  }
0x8a: {  	s1 =	srdreg.scid  }
0x8b: {  	s0 =	sand.u32 $0x1, s1  }
0x8c: {  	s17 =	sshll.u32 s0, $0xA;
	s2 =	sadd.s32 s3, s2  }
0x8d: {  	s2 =	sadd.s32 s2, s17  }
0x8e: {  	[smem:$0x3FC4] =	sst s2  }
0x8f: {  	_ = 	snop  }
0x90: {  	s2 =	sld [smem:$0x3FD0];
	(tm) =	ssettm $0x1  }
0x91: {  	s18 =	sld [smem:$0x3FFB];
	_ =	sdelay $0x3  }
0x92: {  	_ =	strace s18  }
0x93: {  	s3 =	sld [smem:$0x3FFC];
	_ =	sdelay $0x3  }
0x94: {  	_ =	strace s3  }
0x95: {  	s3 =	sld [smem:$0x3FFD];
	_ =	sdelay $0x3  }
0x96: {  	_ =	strace s3  }
0x97: {  	_ =	strace $0x8FFFFFFF  }
0x98: {  	s19 =	sld [smem:$0x3FDB];
	_ =	sdelay $0x1  }
0x99: {  	s4 =	simm.s32 $_scs_section_size  }
0x9a: {  	s5 =	simm.s32 $_size__tile_overlayer_lowered;
	s6 =	simm.s32 $_tile_overlayer_lowered  }
0x9b: {  	s22 =	simm.s32 $0x1BFF;
	s21 =	sshll.u32 s6, $0x1;
	s3 =	sadd.s32 s4, s19  }
0x9c: {  	s7 =	simm.s32 $0x0;
	s20 =	sshll.u32 s5, $0x1;
	s5 =	sadd.s32 s21, s3  }
0x9d: {  	[timem:s7], [sflag:s22] =	dma.local [hbm:s5], s20  }
0x9e: {  	_ =	swait.ge [sflag:s22], s20  }
0x9f: {  	s4 =	ssub.s32 $0x0, s20;
	[sflag:s22] =	ssyncset.done $0x0  }
0xa0: {  	[sflag:s22] =	ssyncadd.s32 s4;
	_ =	sdelay $0x1  }
0xa1: {  	s23 =	simm.s32 $0x1B8B  }
0xa2: {  	_ =	swait.ge [sflag:s23], $0x1  }
0xa3: {  	[sflag:s23] =	ssyncset.done $0x0  }
0xa4: {  	s25 =	simm.s32 $0x1B8E;
	s24 =	sld [smem:$0x3FFE];
	[sflag:s23] =	ssyncadd.s32 $0xFFFFFFFF  }
0xa5: {  	s26 =	simm.s32 $execute0_lowered;
	[smem:$0x3FD2] =	sst s25  }
0xa6: {  	s5 =	sshll.u32 s26, $0x1;
	_ =	strace $0x8000004F;
	[dreg:$0x1] =	wrdreg $0xFFFFFFFF  }
0xa7: {  	s28 =	simm.s32 $_size_execute0_lowered;
	s3 =	sadd.s32 s3, s5;
	[dreg:$0x0] =	wrdreg $0x0  }
0xa8: {  	s5 =	sshll.u32 s28, $0x1;
	[dreg:$0x2] =	wrdreg s3  }
0xa9: {  	[dreg:$0x3] =	wrdreg s5  }
0xaa: {  	[dreg:$0x4] =	wrdreg $0xC0  }
0xab: {  	_ =	task [dreg:s7], $0x5FFFF  }
0xac: {  	[dreg:$0x1] =	wrdreg $0xFFFFFFFF  }
0xad: {  	[dreg:$0x0] =	wrdreg $0x60  }
0xae: {  	[dreg:$0x2] =	wrdreg s24  }
0xaf: {  	[dreg:$0x3] =	wrdreg s2  }
0xb0: {  	[dreg:$0x4] =	wrdreg $0x9  }
0xb1: {  	_ =	task.clear_ibuf [dreg:s7], $0x5FFFF;
	_ =	strace $0x9000004F  }
0xb2: {  	s29 =	simm.s32 $0x9;
	_ =	strace $0x80000051  }
0xb3: {  	_ =	swait.ge [sflag:s29], $0x1  }
0xb4: {  	[sflag:s29] =	ssyncadd.s32 $0xFFFFFFFF  }
0xb5: {  	_ =	strace $0x90000051  }
0xb6: {  	_ =	sfence  }
0xb7: {  	s30 =	sld [smem:$0x0];
	_ =	sdelay $0x2  }
0xb8: {  	s31 =	sshll.u32 s1, $0xD;
	s1 =	sshrl.u32 s1, $0x2  }
0xb9: {  	s3 =	sand.u32 $0x4000, s31;
	s1 =	sadd.s32 s1, s30  }
0xba: {  	s0 =	sor.u32 s3, s0;
	s1 =	sshll.u32 s1, $0x11  }
0xbb: {  	s0 =	sor.u32 s1, s0  }
0xbc: {  	s0 =	sadd.s32 $0x8F2B, s0  }
0xbd: {  	[sflag:s0] =	ssyncadd.remote.s32 $0x1  }
0xbe: {  	_ =	sfence.sel $0xFFFF  }
0xbf: {  	[dreg:$0x0] =	wrdreg $0xFFFFFFFF;
	(pc) =	sbr.abs _section_cstart, $3  }
0xc0: {  	[dreg:$0x1] =	wrdreg $0xFFFFFFFF  }
0xc1: {  	_ =	task.clear_ibuf [dreg:s7], $0x2FFFF;
	_ =	strace $0x9FFFFFFF  }
0xc2: {  	(tm) =	ssettm $0x7FFFFFFF  }
0xc3: {  	_ =	shalt  }
tec
execute0_lowered:
.L_overlay_start_1:
0x0: {  	(tag) =	ssettag $0x1  }
0x1: {  	s1 =	srdreg.scid;
	s5 =	rddreg [dreg:$0x0]  }
0x2: {  	s0 =	stileid.u32;
	s2 =	rddreg [dreg:$0x1];
	s6 =	simm.s32 $0x1  }
0x3: {  	s9 =	simm.s32 $0x1;
	s10 =	simm.s32 $0x3;
	s1 =	sshll.u32 s1, $0x6  }
0x4: {  	s13 =	simm.s32 $0x0;
	s3 =	sshll.u32 s0, $0x7;
	s4 =	sand.u32 $0x40, s1  }
0x5: {  	s12 =	simm.s32 $0x0;
	s1 =	rddreg [dreg:$0x2];
	s3 =	sor.u32 s3, s4  }
0x6: {  	_ =	strace $0x80000050;
	s4 =	sadd.s32 $0xC00, s5;
	s8 =	ssub.s32 $0x1000, s3  }
.Ltmp0:
0x7: {  	s5 =	sadd.s32 $0xA00, s5;
	s7 =	sand.u32 $0x7C0, s8;
	(pc) =	sbr.rel .LBB2_1-.Ltmp0, $4  }
0x8: {  	[sflag:s6] =	ssyncpa.u1 $0x0;
	s11 =	smov.u32 s3;
	p0 =	sne.s32 s7, $0x0  }
0x9: {  	s8 =	sshrl.u32 s8, $0xB;
	s7 =	simm.s32 $0x2;
	s9 =	simm.s32 @!p0 $0x0  }
0xa: {  	[sflag:s7] =	ssyncpa.u1 $0x0;
	p0 =	por $0x0, $0x0;
	s8 =	sadd.s32 s9, s8  }
0xb: {  	vm0 =	vmmov $0xffff;
	[sflag:s10] =	ssyncpa.u1 $0x0;
	s10 =	simm.s32 $0x0;
	s9 =	sadd.s32 $0x1, s8  }
.LBB2_4:
0xc: {  	v2 =	vnsel vm1, $0x0, v2  }
0xd: {  	vm1 =	vgt.s32 v0, $0x0;
	v2 =	vmin.u32 v2, $0xFFF  }
0xe: {  	v0 =	vnsel vm1, $0x0, v0  }
0xf: {  	v0 =	vmin.u32 v0, $0xFFF  }
0x10: {  	[tilespmem:s15], [sflag:$0x1] =	stream.indirect_vreg.gather [hbm4b:s4+s10], $0x1, v1, vm0, $0x4038;
	[tilespmem:$0x100] =	vst v63  }
0x11: {  	(ifvalue) =	ssetifvalue $0x7FFFFFFF  }
0x12: {  	[tilespmem:s16], [sflag:$0x1] =	stream.indirect_vreg.gather [hbm4b:s4+s10], $0x1, v2, vm0, $0x4038;
	[tilespmem:$0x100] =	vst v63  }
0x13: {  	s29 =	sadd.s32 $0x10, s16;
	(ifvalue) =	ssetifvalue $0x7FFFFFFF  }
0x14: {  	[tilespmem:s29], [sflag:$0x1] =	stream.indirect_vreg.gather [hbm4b:s4+s10], $0x1, v0, vm0, $0x4038;
	[tilespmem:$0x100] =	vst v63  }
0x15: {  	_ =	swait.ge [sflag:s6], $0x40  }
0x16: {  	s30 =	sshrl.u32 s13, $0x3;
	[sflag:s6] =	ssyncset.done $0x0  }
0x17: {  	s31 =	sand.u32 $0x7, s13;
	s15 =	sadd.s32 s2, s30;
	[sflag:s6] =	ssyncadd.s32 $0xFFFFFFC0  }
0x18: {  	[hbm4b:s15+s31] =	stream.linear.scatter [tilespmem:s14], [sflag:$0x3], $0x40, $0x38;
	[tilespmem:$0x100] =	vst v63  }
.LBB2_5:
0x19: {  	s15 =	sadd.s32 $0x800, s11  }
0x1a: {  	p2 =	sgt.s32 s15, $0xFFF  }
0x1b: {  	s15 =	smov.u32 @p2 s3;
	p2 =	sne.s32 s12, s9  }
.Ltmp1:
0x1c: {  	p1 =	slt.u32 s12, $0x2;
	(pc) =	sbr.rel @!p2 .LBB2_6-.Ltmp1, $4  }
0x1d: {  	s14 =	simm.s32 @!p1 $0x3  }
0x1e: {  	s16 =	sadd.s32 $0x1, s12;
	_ =	swait.ge @!p1 [sflag:s14], $0x40  }
0x1f: {  	s13 =	smov.u32 s11;
	p0 =	por !p0, !p0;
	[sflag:s14] =	ssyncset.done @!p1 $0x0  }
0x20: {  	s12 =	smov.u32 s16;
	s11 =	smov.u32 s15;
	[sflag:s14] =	ssyncadd.s32 @!p1 $0xFFFFFFC0  }
.LBB2_1:
0x21: {  	p1 =	sge.u32 s12, s8  }
0x22: {  	s14 =	sxor.u32 @!p1 $0xFFFFFFFF, s12  }
0x23: {  	s31 =	sadd.s32 $0xFFFFFFFF, s12;
	s15 =	sshrl.u32 @!p1 s11, $0x3;
	s14 =	sshll.u32 @!p1 s14, $0x6  }
0x24: {  	s16 =	sand.u32 @!p1 $0x7, s11;
	s15 =	sadd.s32 @!p1 s5, s15;
	s14 =	sand.u32 @!p1 $0x40, s14  }
0x25: {  	[tilespmem:s14], [sflag:$0x2] =	stream.linear.gather @!p1 [hbm4b:s15+s16], $0x40, $0x38;
	[tilespmem:$0x100] =	vst v63  }
0x26: {  	p1 =	sge.u32 s31, s8  }
.Ltmp2:
0x27: {  	_ = 	snop;
	(pc) =	sbr.rel @p1 .LBB2_5-.Ltmp2, $1  }
0x28: {  	_ =	sdelay $0x3  }
0x29: {  	s14 =	simm.s32 $0x1  }
0x2a: {  	_ =	swait.ge [sflag:s7], $0x40;
	s14 =	simm.s32 @!p0 $0x0  }
0x2b: {  	[sflag:s7] =	ssyncset.done $0x0;
	s14 =	sshll.u32 s14, $0x6  }
0x2c: {  	[sflag:s7] =	ssyncadd.s32 $0xFFFFFFC0;
	(ifvalue) =	ssetifvalue $0x7FFFFFFF;
	v0 =	vld.msk [tilespmem:s14+$0x0 ss:$0x1], $0xffff;
	_ =	sdelay $0x4  }
0x2d: {  	s15 =	sadd.s32 $0x10, s14;
	vm1 =	vgt.s32 v0, $0x0  }
0x2e: {  	v2 =	vld.msk [tilespmem:s15+$0x0 ss:$0x1], $0xffff;
	v1 =	vnsel vm1, $0x0, v0  }
0x2f: {  	v1 =	vmin.u32 v1, $0xFFF;
	_ =	sdelay $0x1  }
0x30: {  	s16 =	sshll.u32 s12, $0x6;
	s18 =	simm.s32 $0x20  }
0x31: {  	s16 =	sand.u32 $0x40, s16;
	s17 =	sadd.s32 $0x10, s15;
	s15 =	sor.u32 $0x80, s14  }
0x32: {  	s14 =	sor.u32 $0x80, s16;
	s16 =	sadd.s32 $0x10, s15;
	v0 =	vld.msk [tilespmem:s17+$0x0 ss:$0x1], $0xffff;
	vm1 =	vgt.s32 v2, $0x0;
	(ifvalue) =	ssetifvalue $0x7FFFFFFF  }
.LBB2_3:
0x33: {  	[tilespmem:s15], [sflag:$0x1] =	stream.indirect_vreg.gather [hbm4b:s4+s10], $0x1, v1, vm0, $0x4038;
	[tilespmem:$0x100] =	vst v63  }
0x34: {  	s18 =	sadd.s32 $0x10, s18  }
0x35: {  	v2 =	vnsel vm1, $0x0, v2;
	p1 =	slt.u32 s18, $0x30  }
.Ltmp3:
0x36: {  	s15 =	smov.u32 s16;
	v1 =	vmin.u32 v2, $0xFFF;
	(pc) =	sbr.rel @p1 .LBB2_3-.Ltmp3, $3  }
0x37: {  	_ =	sdelay $0x1  }
0x38: {  	s17 =	sadd.s32 $0x10, s17  }
0x39: {  	vm1 =	vgt.s32 v0, $0x0;
	s16 =	sadd.s32 $0x10, s16;
	v2 =	vmov v0;
	(ifvalue) =	ssetifvalue $0x7FFFFFFF;
	v0 =	vld.msk [tilespmem:s17+$0x0 ss:$0x1], $0xffff  }
.Ltmp4:
0x3a: {  	_ = 	snop;
	(pc) =	sbr.rel .LBB2_4-.Ltmp4, $1  }
0x3b: {  	_ =	sdelay $0x3  }
.LBB2_6:
0x3c: {  	_ =	sfence.sel $0x180000  }
0x3d: {  	s2 =	simm.s32 $0x2;
	[bflag:$0x0] =	sbarrier.arrive $0xFFFF  }
0x3e: {  	s30 =	simm.s32 $0x3;
	[sflag:s2] =	ssyncpa.u1 $0x1  }
0x3f: {  	s31 =	simm.s32 $0x1;
	[sflag:s30] =	ssyncpa.u1 $0x1  }
0x40: {  	[sflag:s31] =	ssyncpa.u1 $0x1  }
0x41: {  	p0 =	sne.s32 s0, $0x0;
	_ =	strace $0x90000050  }
0x42: {  	s0 =	sadd.s32 @!p0 $0x100000, s1;
	[bflag:$0x2] =	sbarrier.arrive $0xFFFF  }
0x43: {  	[sflag:s0] =	ssyncadd.tile.s32 @!p0 $0x1;
	_ =	shalt  }
.Lfunc_end2:
_tile_overlayer_lowered:
.L_overlay_start_2:
0x44: {  	(tag) =	ssettag $0x2  }
0x45: {  	s0 =	rddreg [dreg:$0x0];
	s2 =	stileid.u32  }
0x46: {  	s1 =	rddreg [dreg:$0x1];
	p0 =	sne.s32 s2, $0x0  }
0x47: {  	s3 =	rddreg [dreg:$0x2];
	[bflag:$0x3] =	sbarrier.arrive $0xFFFF;
	s2 =	simm.s32 @!p0 $0x1C01  }
0x48: {  	[timem:s3], [sflag:s2] =	dma.local @!p0 [hbm:s0], s1  }
0x49: {  	s0 =	simm.s32 @!p0 $0x1  }
0x4a: {  	_ =	swait.ge @!p0 [sflag:s0], s1  }
0x4b: {  	s1 =	ssub.s32 @!p0 $0x0, s1;
	[sflag:s0] =	ssyncset.done @!p0 $0x0  }
0x4c: {  	[sflag:s0] =	ssyncadd.s32 @!p0 s1  }
0x4d: {  	[bflag:$0x3] =	sbarrier.arrive $0xFFFF  }
0x4e: {  	_ =	shalt  }

// kernel: gather_offload_async_start.2
scs
__scs_entry_jumppad:
0x0: {  	(pc) =	sbr.rel $0x88, $3  }
0x1: {  	(tag) =	ssettag $0x0;
	lr =	simm.s32 $0x1  }
0x2: {  	[smem:$0x3F9D] =	sst lr;
	_ =	strace $0xD0000000  }
0x3: {  	_ = 	snop  }
0x4: {  	_ = 	snop  }
0x5: {  	_ = 	snop  }
0x6: {  	_ = 	snop  }
0x7: {  	_ = 	snop  }
__scs_overlays_trampoline_lowered:
0x8: {  	[smem:$0x3FAC] =	sst s0  }
0x9: {  	[smem:$0x3FAD] =	sst s1  }
0xa: {  	[smem:$0x3FAE] =	sst s2  }
0xb: {  	[smem:$0x3FAF] =	sst s3  }
0xc: {  	[smem:$0x3FB0] =	sst s4  }
0xd: {  	[smem:$0x3FB1] =	sst s5  }
0xe: {  	[smem:$0x3FB2] =	sst s6  }
0xf: {  	[smem:$0x3FB3] =	sst s7  }
0x10: {  	[smem:$0x3FB4] =	sst s8  }
0x11: {  	[smem:$0x3FB5] =	sst s9;
	s0 =	simm.s32 @!p0 $0x0  }
0x12: {  	s1 =	sld [smem:$0x3F9B];
	s0 =	simm.s32 @p0 $0x1  }
0x13: {  	[smem:$0x3FB6] =	sst s0;
	s0 =	simm.s32 @!p1 $0x0  }
0x14: {  	s2 =	sld [smem:$0x3F9A];
	s0 =	simm.s32 @p1 $0x1  }
0x15: {  	[smem:$0x3FB7] =	sst s0;
	s0 =	simm.s32 @!p2 $0x0  }
0x16: {  	s3 =	sld [smem:$0x3FDB];
	s0 =	simm.s32 @p2 $0x1  }
0x17: {  	s4 =	simm.s32 $0x1BF5;
	[smem:$0x3FB9] =	sst s0  }
0x18: {  	s0 =	sld [smem:$0x3F9C];
	_ =	swait.ge [sflag:s4], $0x0  }
0x19: {  	s7 =	sld [smem:$0x3F9D]  }
0x1a: {  	s8 =	sadd.s32 $0xFFFFE003, lr  }
0x1b: {  	s9 =	sadd.s32 $0xFFFFFEF7, lr;
	s5 =	simm.s32 $0xFFFFFFFF;
	p2 =	slt.u32 s8, $0xFFFFF086  }
0x1c: {  	p1 =	slt.u32 s9, $0xF7A;
	s5 =	simm.s32 @!p2 $0x0  }
0x1d: {  	s5 =	simm.s32 @p1 $0x1;
	p0 =	seq.s32 s7, s2  }
0x1e: {  	s7 =	smul.u32 @!p0 $0xF7A, s2;
	p2 =	seq.s32 @!p0 s5, $0x0  }
0x1f: {  	s9 =	smul.u32 $0xF7A, s1;
	s8 =	simm.s32 @!p0 $0x1BF5;
	p2 =	por !p2, p0  }
0x20: {  	[sflag:s8] =	ssyncset.s32 @!p0 $0xFFFFF086;
	s6 =	sadd.s32 @!p0 s3, s7;
	s7 =	simm.s32 @!p0 $0x108  }
0x21: {  	s3 =	sadd.s32 s3, s9;
	s6 =	sadd.s32 @!p0 $0x88, s6;
	s7 =	simm.s32 @p2 $0x1082  }
0x22: {  	[simem:s7], [sflag:s8] =	dma.local @!p0 [hbm:s6], $0xF7A  }
0x23: {  	s9 =	sor.u32 $0xD0000000, s2;
	s6 =	simm.s32 $0x108;
	_ =	swait.ge @!p0 [sflag:s8], $0x0  }
0x24: {  	s3 =	sadd.s32 $0x88, s3;
	s6 =	simm.s32 @!p1 $0x1082;
	[sflag:s4] =	ssyncset.s32 $0xFFFFF086  }
0x25: {  	[simem:s6], [sflag:s4] =	dma.local [hbm:s3], $0xF7A  }
0x26: {  	[smem:$0x3F9D] =	sst s1;
	(tag) =	ssettag s2;
	_ =	strace s9  }
0x27: {  	s1 =	sld [smem:$0x3FAD]  }
0x28: {  	s2 =	sld [smem:$0x3FAE]  }
0x29: {  	s4 =	sld [smem:$0x3FB0]  }
0x2a: {  	p0 =	seq.s32 s5, $0x0;
	s5 =	sld [smem:$0x3FB1]  }
0x2b: {  	s6 =	sld [smem:$0x3FB2]  }
0x2c: {  	s7 =	sld [smem:$0x3FB3]  }
0x2d: {  	s3 =	simm.s32 $0x108;
	s8 =	sld [smem:$0x3FB4]  }
0x2e: {  	s3 =	simm.s32 @!p0 $0x1082;
	s9 =	sld [smem:$0x3FB5]  }
0x2f: {  	lr =	sadd.s32 s0, s3;
	s0 =	sld [smem:$0x3FAC]  }
0x30: {  	s3 =	sld [smem:$0x3FAF]  }
0x31: {  	[smem:$0x3FB8] =	sst s10  }
0x32: {  	s10 =	sld [smem:$0x3FB6];
	_ =	sdelay $0x3  }
0x33: {  	p0 =	seq.s32 s10, $0x1;
	s10 =	sld [smem:$0x3FB8];
	_ =	sdelay $0x3  }
0x34: {  	[smem:$0x3FB8] =	sst s10  }
0x35: {  	s10 =	sld [smem:$0x3FB7];
	_ =	sdelay $0x3  }
0x36: {  	p1 =	seq.s32 s10, $0x1;
	s10 =	sld [smem:$0x3FB8];
	_ =	sdelay $0x3  }
0x37: {  	[smem:$0x3FB8] =	sst s10  }
0x38: {  	s10 =	sld [smem:$0x3FB9]  }
0x39: {  	_ = 	snop;
	(pc) =	sbr.ind lr, $3  }
0x3a: {  	_ = 	snop  }
0x3b: {  	_ = 	snop  }
0x3c: {  	p2 =	seq.s32 s10, $0x1;
	s10 =	sld [smem:$0x3FB8]  }
0x3d: {  	_ =	shalt  }
0x3e: {  	_ =	shalt  }
0x3f: {  	_ =	shalt  }
0x40: {  	_ =	shalt  }
0x41: {  	_ =	shalt  }
0x42: {  	_ =	shalt  }
0x43: {  	_ =	shalt  }
0x44: {  	_ =	shalt  }
0x45: {  	_ =	shalt  }
0x46: {  	_ =	shalt  }
0x47: {  	_ =	shalt  }
0x48: {  	_ =	shalt  }
0x49: {  	_ =	shalt  }
0x4a: {  	_ =	shalt  }
0x4b: {  	_ =	shalt  }
0x4c: {  	_ =	shalt  }
0x4d: {  	_ =	shalt  }
0x4e: {  	_ =	shalt  }
0x4f: {  	_ =	shalt  }
0x50: {  	_ =	shalt  }
0x51: {  	_ =	shalt  }
0x52: {  	_ =	shalt  }
0x53: {  	_ =	shalt  }
0x54: {  	_ =	shalt  }
0x55: {  	_ =	shalt  }
0x56: {  	_ =	shalt  }
0x57: {  	_ =	shalt  }
0x58: {  	_ =	shalt  }
0x59: {  	_ =	shalt  }
0x5a: {  	_ =	shalt  }
0x5b: {  	_ =	shalt  }
0x5c: {  	_ =	shalt  }
0x5d: {  	_ =	shalt  }
0x5e: {  	_ =	shalt  }
0x5f: {  	_ =	shalt  }
0x60: {  	_ =	shalt  }
0x61: {  	_ =	shalt  }
0x62: {  	_ =	shalt  }
0x63: {  	_ =	shalt  }
0x64: {  	_ =	shalt  }
0x65: {  	_ =	shalt  }
0x66: {  	_ =	shalt  }
0x67: {  	_ =	shalt  }
0x68: {  	_ =	shalt  }
0x69: {  	_ =	shalt  }
0x6a: {  	_ =	shalt  }
0x6b: {  	_ =	shalt  }
0x6c: {  	_ =	shalt  }
0x6d: {  	_ =	shalt  }
0x6e: {  	_ =	shalt  }
0x6f: {  	_ =	shalt  }
0x70: {  	_ =	shalt  }
0x71: {  	_ =	shalt  }
0x72: {  	_ =	shalt  }
0x73: {  	_ =	shalt  }
0x74: {  	_ =	shalt  }
0x75: {  	_ =	shalt  }
0x76: {  	_ =	shalt  }
0x77: {  	_ =	shalt  }
0x78: {  	_ =	shalt  }
0x79: {  	_ =	shalt  }
0x7a: {  	_ =	shalt  }
0x7b: {  	_ =	shalt  }
0x7c: {  	_ =	shalt  }
0x7d: {  	_ =	shalt  }
0x7e: {  	_ =	shalt  }
0x7f: {  	_ =	shalt  }
0x80: {  	_ =	shalt  }
0x81: {  	_ =	shalt  }
0x82: {  	_ =	shalt  }
0x83: {  	_ =	shalt  }
0x84: {  	_ =	shalt  }
0x85: {  	_ =	shalt  }
0x86: {  	_ =	shalt  }
0x87: {  	_ =	shalt  }
.Lfunc_end0:
.L_simem_size_0:
called_computation.3_lowered:
.L_overlay_start_0:
0x88: {  	s2 =	sld [smem:$0x3FD9]  }
0x89: {  	s3 =	sld [smem:$0x3FFE];
	_ =	sdelay $0x1  }
0x8a: {  	s1 =	srdreg.scid  }
0x8b: {  	s0 =	sand.u32 $0x1, s1  }
0x8c: {  	s17 =	sshll.u32 s0, $0xA;
	s2 =	sadd.s32 s3, s2  }
0x8d: {  	s2 =	sadd.s32 s2, s17  }
0x8e: {  	[smem:$0x3FC4] =	sst s2  }
0x8f: {  	_ = 	snop  }
0x90: {  	s2 =	sld [smem:$0x3FD0];
	(tm) =	ssettm $0x1  }
0x91: {  	s18 =	sld [smem:$0x3FFB];
	_ =	sdelay $0x3  }
0x92: {  	_ =	strace s18  }
0x93: {  	s3 =	sld [smem:$0x3FFC];
	_ =	sdelay $0x3  }
0x94: {  	_ =	strace s3  }
0x95: {  	s3 =	sld [smem:$0x3FFD];
	_ =	sdelay $0x3  }
0x96: {  	_ =	strace s3  }
0x97: {  	_ =	strace $0x8FFFFFFF  }
0x98: {  	s19 =	sld [smem:$0x3FDB];
	_ =	sdelay $0x1  }
0x99: {  	s4 =	simm.s32 $_scs_section_size  }
0x9a: {  	s5 =	simm.s32 $_size__tile_overlayer_lowered;
	s6 =	simm.s32 $_tile_overlayer_lowered  }
0x9b: {  	s22 =	simm.s32 $0x1BFF;
	s21 =	sshll.u32 s6, $0x1;
	s3 =	sadd.s32 s4, s19  }
0x9c: {  	s7 =	simm.s32 $0x0;
	s20 =	sshll.u32 s5, $0x1;
	s5 =	sadd.s32 s21, s3  }
0x9d: {  	[timem:s7], [sflag:s22] =	dma.local [hbm:s5], s20  }
0x9e: {  	_ =	swait.ge [sflag:s22], s20  }
0x9f: {  	s4 =	ssub.s32 $0x0, s20;
	[sflag:s22] =	ssyncset.done $0x0  }
0xa0: {  	[sflag:s22] =	ssyncadd.s32 s4;
	_ =	sdelay $0x1  }
0xa1: {  	s23 =	simm.s32 $0x1B8B  }
0xa2: {  	_ =	swait.ge [sflag:s23], $0x1  }
0xa3: {  	[sflag:s23] =	ssyncset.done $0x0  }
0xa4: {  	s25 =	simm.s32 $0x1B8E;
	s24 =	sld [smem:$0x3FFE];
	[sflag:s23] =	ssyncadd.s32 $0xFFFFFFFF  }
0xa5: {  	s26 =	simm.s32 $execute0_lowered;
	[smem:$0x3FD2] =	sst s25  }
0xa6: {  	s5 =	sshll.u32 s26, $0x1;
	_ =	strace $0x8000004C;
	[dreg:$0x1] =	wrdreg $0xFFFFFFFF  }
0xa7: {  	s28 =	simm.s32 $_size_execute0_lowered;
	s3 =	sadd.s32 s3, s5;
	[dreg:$0x0] =	wrdreg $0x0  }
0xa8: {  	s5 =	sshll.u32 s28, $0x1;
	[dreg:$0x2] =	wrdreg s3  }
0xa9: {  	[dreg:$0x3] =	wrdreg s5  }
0xaa: {  	[dreg:$0x4] =	wrdreg $0xC0  }
0xab: {  	_ =	task [dreg:s7], $0x5FFFF  }
0xac: {  	[dreg:$0x1] =	wrdreg $0xFFFFFFFF  }
0xad: {  	[dreg:$0x0] =	wrdreg $0x60  }
0xae: {  	[dreg:$0x2] =	wrdreg s24  }
0xaf: {  	[dreg:$0x3] =	wrdreg s2  }
0xb0: {  	[dreg:$0x4] =	wrdreg $0x9  }
0xb1: {  	_ =	task.clear_ibuf [dreg:s7], $0x5FFFF;
	_ =	strace $0x9000004C  }
0xb2: {  	s29 =	simm.s32 $0x9;
	_ =	strace $0x8000004E  }
0xb3: {  	_ =	swait.ge [sflag:s29], $0x1  }
0xb4: {  	[sflag:s29] =	ssyncadd.s32 $0xFFFFFFFF  }
0xb5: {  	_ =	strace $0x9000004E  }
0xb6: {  	_ =	sfence  }
0xb7: {  	s30 =	sld [smem:$0x0];
	_ =	sdelay $0x2  }
0xb8: {  	s31 =	sshll.u32 s1, $0xD;
	s1 =	sshrl.u32 s1, $0x2  }
0xb9: {  	s3 =	sand.u32 $0x4000, s31;
	s1 =	sadd.s32 s1, s30  }
0xba: {  	s0 =	sor.u32 s3, s0;
	s1 =	sshll.u32 s1, $0x11  }
0xbb: {  	s0 =	sor.u32 s1, s0  }
0xbc: {  	s0 =	sadd.s32 $0x8F2B, s0  }
0xbd: {  	[sflag:s0] =	ssyncadd.remote.s32 $0x1  }
0xbe: {  	_ =	sfence.sel $0xFFFF  }
0xbf: {  	[dreg:$0x0] =	wrdreg $0xFFFFFFFF;
	(pc) =	sbr.abs _section_cstart, $3  }
0xc0: {  	[dreg:$0x1] =	wrdreg $0xFFFFFFFF  }
0xc1: {  	_ =	task.clear_ibuf [dreg:s7], $0x2FFFF;
	_ =	strace $0x9FFFFFFF  }
0xc2: {  	(tm) =	ssettm $0x7FFFFFFF  }
0xc3: {  	_ =	shalt  }
tec
execute0_lowered:
.L_overlay_start_1:
0x0: {  	(tag) =	ssettag $0x1  }
0x1: {  	s1 =	srdreg.scid;
	s5 =	rddreg [dreg:$0x0]  }
0x2: {  	s0 =	stileid.u32;
	s2 =	rddreg [dreg:$0x1];
	s6 =	simm.s32 $0x1  }
0x3: {  	s9 =	simm.s32 $0x1;
	s10 =	simm.s32 $0x3;
	s1 =	sshll.u32 s1, $0x6  }
0x4: {  	s13 =	simm.s32 $0x0;
	s3 =	sshll.u32 s0, $0x7;
	s4 =	sand.u32 $0x40, s1  }
0x5: {  	s12 =	simm.s32 $0x0;
	s1 =	rddreg [dreg:$0x2];
	s3 =	sor.u32 s3, s4  }
0x6: {  	_ =	strace $0x8000004D;
	s4 =	sadd.s32 $0x400, s5;
	s8 =	ssub.s32 $0x1000, s3  }
.Ltmp0:
0x7: {  	s5 =	sadd.s32 $0xA00, s5;
	s7 =	sand.u32 $0x7C0, s8;
	(pc) =	sbr.rel .LBB2_1-.Ltmp0, $4  }
0x8: {  	[sflag:s6] =	ssyncpa.u1 $0x0;
	s11 =	smov.u32 s3;
	p0 =	sne.s32 s7, $0x0  }
0x9: {  	s8 =	sshrl.u32 s8, $0xB;
	s7 =	simm.s32 $0x2;
	s9 =	simm.s32 @!p0 $0x0  }
0xa: {  	[sflag:s7] =	ssyncpa.u1 $0x0;
	p0 =	por $0x0, $0x0;
	s8 =	sadd.s32 s9, s8  }
0xb: {  	vm0 =	vmmov $0xffff;
	[sflag:s10] =	ssyncpa.u1 $0x0;
	s10 =	simm.s32 $0x0;
	s9 =	sadd.s32 $0x1, s8  }
.LBB2_4:
0xc: {  	v2 =	vnsel vm1, $0x0, v2  }
0xd: {  	vm1 =	vgt.s32 v0, $0x0;
	v2 =	vmin.u32 v2, $0xFFF  }
0xe: {  	v0 =	vnsel vm1, $0x0, v0  }
0xf: {  	v0 =	vmin.u32 v0, $0xFFF  }
0x10: {  	[tilespmem:s15], [sflag:$0x1] =	stream.indirect_vreg.gather [hbm4b:s4+s10], $0x1, v1, vm0, $0x4038;
	[tilespmem:$0x100] =	vst v63  }
0x11: {  	(ifvalue) =	ssetifvalue $0x7FFFFFFF  }
0x12: {  	[tilespmem:s16], [sflag:$0x1] =	stream.indirect_vreg.gather [hbm4b:s4+s10], $0x1, v2, vm0, $0x4038;
	[tilespmem:$0x100] =	vst v63  }
0x13: {  	s29 =	sadd.s32 $0x10, s16;
	(ifvalue) =	ssetifvalue $0x7FFFFFFF  }
0x14: {  	[tilespmem:s29], [sflag:$0x1] =	stream.indirect_vreg.gather [hbm4b:s4+s10], $0x1, v0, vm0, $0x4038;
	[tilespmem:$0x100] =	vst v63  }
0x15: {  	_ =	swait.ge [sflag:s6], $0x40  }
0x16: {  	s30 =	sshrl.u32 s13, $0x3;
	[sflag:s6] =	ssyncset.done $0x0  }
0x17: {  	s31 =	sand.u32 $0x7, s13;
	s15 =	sadd.s32 s2, s30;
	[sflag:s6] =	ssyncadd.s32 $0xFFFFFFC0  }
0x18: {  	[hbm4b:s15+s31] =	stream.linear.scatter [tilespmem:s14], [sflag:$0x3], $0x40, $0x38;
	[tilespmem:$0x100] =	vst v63  }
.LBB2_5:
0x19: {  	s15 =	sadd.s32 $0x800, s11  }
0x1a: {  	p2 =	sgt.s32 s15, $0xFFF  }
0x1b: {  	s15 =	smov.u32 @p2 s3;
	p2 =	sne.s32 s12, s9  }
.Ltmp1:
0x1c: {  	p1 =	slt.u32 s12, $0x2;
	(pc) =	sbr.rel @!p2 .LBB2_6-.Ltmp1, $4  }
0x1d: {  	s14 =	simm.s32 @!p1 $0x3  }
0x1e: {  	s16 =	sadd.s32 $0x1, s12;
	_ =	swait.ge @!p1 [sflag:s14], $0x40  }
0x1f: {  	s13 =	smov.u32 s11;
	p0 =	por !p0, !p0;
	[sflag:s14] =	ssyncset.done @!p1 $0x0  }
0x20: {  	s12 =	smov.u32 s16;
	s11 =	smov.u32 s15;
	[sflag:s14] =	ssyncadd.s32 @!p1 $0xFFFFFFC0  }
.LBB2_1:
0x21: {  	p1 =	sge.u32 s12, s8  }
0x22: {  	s14 =	sxor.u32 @!p1 $0xFFFFFFFF, s12  }
0x23: {  	s31 =	sadd.s32 $0xFFFFFFFF, s12;
	s15 =	sshrl.u32 @!p1 s11, $0x3;
	s14 =	sshll.u32 @!p1 s14, $0x6  }
0x24: {  	s16 =	sand.u32 @!p1 $0x7, s11;
	s15 =	sadd.s32 @!p1 s5, s15;
	s14 =	sand.u32 @!p1 $0x40, s14  }
0x25: {  	[tilespmem:s14], [sflag:$0x2] =	stream.linear.gather @!p1 [hbm4b:s15+s16], $0x40, $0x38;
	[tilespmem:$0x100] =	vst v63  }
0x26: {  	p1 =	sge.u32 s31, s8  }
.Ltmp2:
0x27: {  	_ = 	snop;
	(pc) =	sbr.rel @p1 .LBB2_5-.Ltmp2, $1  }
0x28: {  	_ =	sdelay $0x3  }
0x29: {  	s14 =	simm.s32 $0x1  }
0x2a: {  	_ =	swait.ge [sflag:s7], $0x40;
	s14 =	simm.s32 @!p0 $0x0  }
0x2b: {  	[sflag:s7] =	ssyncset.done $0x0;
	s14 =	sshll.u32 s14, $0x6  }
0x2c: {  	[sflag:s7] =	ssyncadd.s32 $0xFFFFFFC0;
	(ifvalue) =	ssetifvalue $0x7FFFFFFF;
	v0 =	vld.msk [tilespmem:s14+$0x0 ss:$0x1], $0xffff;
	_ =	sdelay $0x4  }
0x2d: {  	s15 =	sadd.s32 $0x10, s14;
	vm1 =	vgt.s32 v0, $0x0  }
0x2e: {  	v2 =	vld.msk [tilespmem:s15+$0x0 ss:$0x1], $0xffff;
	v1 =	vnsel vm1, $0x0, v0  }
0x2f: {  	v1 =	vmin.u32 v1, $0xFFF;
	_ =	sdelay $0x1  }
0x30: {  	s16 =	sshll.u32 s12, $0x6;
	s18 =	simm.s32 $0x20  }
0x31: {  	s16 =	sand.u32 $0x40, s16;
	s17 =	sadd.s32 $0x10, s15;
	s15 =	sor.u32 $0x80, s14  }
0x32: {  	s14 =	sor.u32 $0x80, s16;
	s16 =	sadd.s32 $0x10, s15;
	v0 =	vld.msk [tilespmem:s17+$0x0 ss:$0x1], $0xffff;
	vm1 =	vgt.s32 v2, $0x0;
	(ifvalue) =	ssetifvalue $0x7FFFFFFF  }
.LBB2_3:
0x33: {  	[tilespmem:s15], [sflag:$0x1] =	stream.indirect_vreg.gather [hbm4b:s4+s10], $0x1, v1, vm0, $0x4038;
	[tilespmem:$0x100] =	vst v63  }
0x34: {  	s18 =	sadd.s32 $0x10, s18  }
0x35: {  	v2 =	vnsel vm1, $0x0, v2;
	p1 =	slt.u32 s18, $0x30  }
.Ltmp3:
0x36: {  	s15 =	smov.u32 s16;
	v1 =	vmin.u32 v2, $0xFFF;
	(pc) =	sbr.rel @p1 .LBB2_3-.Ltmp3, $3  }
0x37: {  	_ =	sdelay $0x1  }
0x38: {  	s17 =	sadd.s32 $0x10, s17  }
0x39: {  	vm1 =	vgt.s32 v0, $0x0;
	s16 =	sadd.s32 $0x10, s16;
	v2 =	vmov v0;
	(ifvalue) =	ssetifvalue $0x7FFFFFFF;
	v0 =	vld.msk [tilespmem:s17+$0x0 ss:$0x1], $0xffff  }
.Ltmp4:
0x3a: {  	_ = 	snop;
	(pc) =	sbr.rel .LBB2_4-.Ltmp4, $1  }
0x3b: {  	_ =	sdelay $0x3  }
.LBB2_6:
0x3c: {  	_ =	sfence.sel $0x180000  }
0x3d: {  	s2 =	simm.s32 $0x2;
	[bflag:$0x0] =	sbarrier.arrive $0xFFFF  }
0x3e: {  	s30 =	simm.s32 $0x3;
	[sflag:s2] =	ssyncpa.u1 $0x1  }
0x3f: {  	s31 =	simm.s32 $0x1;
	[sflag:s30] =	ssyncpa.u1 $0x1  }
0x40: {  	[sflag:s31] =	ssyncpa.u1 $0x1  }
0x41: {  	p0 =	sne.s32 s0, $0x0;
	_ =	strace $0x9000004D  }
0x42: {  	s0 =	sadd.s32 @!p0 $0x100000, s1;
	[bflag:$0x2] =	sbarrier.arrive $0xFFFF  }
0x43: {  	[sflag:s0] =	ssyncadd.tile.s32 @!p0 $0x1;
	_ =	shalt  }
.Lfunc_end2:
_tile_overlayer_lowered:
.L_overlay_start_2:
0x44: {  	(tag) =	ssettag $0x2  }
0x45: {  	s0 =	rddreg [dreg:$0x0];
	s2 =	stileid.u32  }
0x46: {  	s1 =	rddreg [dreg:$0x1];
	p0 =	sne.s32 s2, $0x0  }
0x47: {  	s3 =	rddreg [dreg:$0x2];
	[bflag:$0x3] =	sbarrier.arrive $0xFFFF;
	s2 =	simm.s32 @!p0 $0x1C01  }
0x48: {  	[timem:s3], [sflag:s2] =	dma.local @!p0 [hbm:s0], s1  }
0x49: {  	s0 =	simm.s32 @!p0 $0x1  }
0x4a: {  	_ =	swait.ge @!p0 [sflag:s0], s1  }
0x4b: {  	s1 =	ssub.s32 @!p0 $0x0, s1;
	[sflag:s0] =	ssyncset.done @!p0 $0x0  }
0x4c: {  	[sflag:s0] =	ssyncadd.s32 @!p0 s1  }
0x4d: {  	[bflag:$0x3] =	sbarrier.arrive $0xFFFF  }
0x4e: {  	_ =	shalt  }

// kernel: gather_offload_async_start.3
scs
__scs_entry_jumppad:
0x0: {  	(pc) =	sbr.rel $0x88, $3  }
0x1: {  	(tag) =	ssettag $0x0;
	lr =	simm.s32 $0x1  }
0x2: {  	[smem:$0x3F9D] =	sst lr;
	_ =	strace $0xD0000000  }
0x3: {  	_ = 	snop  }
0x4: {  	_ = 	snop  }
0x5: {  	_ = 	snop  }
0x6: {  	_ = 	snop  }
0x7: {  	_ = 	snop  }
__scs_overlays_trampoline_lowered:
0x8: {  	[smem:$0x3FAC] =	sst s0  }
0x9: {  	[smem:$0x3FAD] =	sst s1  }
0xa: {  	[smem:$0x3FAE] =	sst s2  }
0xb: {  	[smem:$0x3FAF] =	sst s3  }
0xc: {  	[smem:$0x3FB0] =	sst s4  }
0xd: {  	[smem:$0x3FB1] =	sst s5  }
0xe: {  	[smem:$0x3FB2] =	sst s6  }
0xf: {  	[smem:$0x3FB3] =	sst s7  }
0x10: {  	[smem:$0x3FB4] =	sst s8  }
0x11: {  	[smem:$0x3FB5] =	sst s9;
	s0 =	simm.s32 @!p0 $0x0  }
0x12: {  	s1 =	sld [smem:$0x3F9B];
	s0 =	simm.s32 @p0 $0x1  }
0x13: {  	[smem:$0x3FB6] =	sst s0;
	s0 =	simm.s32 @!p1 $0x0  }
0x14: {  	s2 =	sld [smem:$0x3F9A];
	s0 =	simm.s32 @p1 $0x1  }
0x15: {  	[smem:$0x3FB7] =	sst s0;
	s0 =	simm.s32 @!p2 $0x0  }
0x16: {  	s3 =	sld [smem:$0x3FDB];
	s0 =	simm.s32 @p2 $0x1  }
0x17: {  	s4 =	simm.s32 $0x1BF5;
	[smem:$0x3FB9] =	sst s0  }
0x18: {  	s0 =	sld [smem:$0x3F9C];
	_ =	swait.ge [sflag:s4], $0x0  }
0x19: {  	s7 =	sld [smem:$0x3F9D]  }
0x1a: {  	s8 =	sadd.s32 $0xFFFFE003, lr  }
0x1b: {  	s9 =	sadd.s32 $0xFFFFFEF7, lr;
	s5 =	simm.s32 $0xFFFFFFFF;
	p2 =	slt.u32 s8, $0xFFFFF086  }
0x1c: {  	p1 =	slt.u32 s9, $0xF7A;
	s5 =	simm.s32 @!p2 $0x0  }
0x1d: {  	s5 =	simm.s32 @p1 $0x1;
	p0 =	seq.s32 s7, s2  }
0x1e: {  	s7 =	smul.u32 @!p0 $0xF7A, s2;
	p2 =	seq.s32 @!p0 s5, $0x0  }
0x1f: {  	s9 =	smul.u32 $0xF7A, s1;
	s8 =	simm.s32 @!p0 $0x1BF5;
	p2 =	por !p2, p0  }
0x20: {  	[sflag:s8] =	ssyncset.s32 @!p0 $0xFFFFF086;
	s6 =	sadd.s32 @!p0 s3, s7;
	s7 =	simm.s32 @!p0 $0x108  }
0x21: {  	s3 =	sadd.s32 s3, s9;
	s6 =	sadd.s32 @!p0 $0x88, s6;
	s7 =	simm.s32 @p2 $0x1082  }
0x22: {  	[simem:s7], [sflag:s8] =	dma.local @!p0 [hbm:s6], $0xF7A  }
0x23: {  	s9 =	sor.u32 $0xD0000000, s2;
	s6 =	simm.s32 $0x108;
	_ =	swait.ge @!p0 [sflag:s8], $0x0  }
0x24: {  	s3 =	sadd.s32 $0x88, s3;
	s6 =	simm.s32 @!p1 $0x1082;
	[sflag:s4] =	ssyncset.s32 $0xFFFFF086  }
0x25: {  	[simem:s6], [sflag:s4] =	dma.local [hbm:s3], $0xF7A  }
0x26: {  	[smem:$0x3F9D] =	sst s1;
	(tag) =	ssettag s2;
	_ =	strace s9  }
0x27: {  	s1 =	sld [smem:$0x3FAD]  }
0x28: {  	s2 =	sld [smem:$0x3FAE]  }
0x29: {  	s4 =	sld [smem:$0x3FB0]  }
0x2a: {  	p0 =	seq.s32 s5, $0x0;
	s5 =	sld [smem:$0x3FB1]  }
0x2b: {  	s6 =	sld [smem:$0x3FB2]  }
0x2c: {  	s7 =	sld [smem:$0x3FB3]  }
0x2d: {  	s3 =	simm.s32 $0x108;
	s8 =	sld [smem:$0x3FB4]  }
0x2e: {  	s3 =	simm.s32 @!p0 $0x1082;
	s9 =	sld [smem:$0x3FB5]  }
0x2f: {  	lr =	sadd.s32 s0, s3;
	s0 =	sld [smem:$0x3FAC]  }
0x30: {  	s3 =	sld [smem:$0x3FAF]  }
0x31: {  	[smem:$0x3FB8] =	sst s10  }
0x32: {  	s10 =	sld [smem:$0x3FB6];
	_ =	sdelay $0x3  }
0x33: {  	p0 =	seq.s32 s10, $0x1;
	s10 =	sld [smem:$0x3FB8];
	_ =	sdelay $0x3  }
0x34: {  	[smem:$0x3FB8] =	sst s10  }
0x35: {  	s10 =	sld [smem:$0x3FB7];
	_ =	sdelay $0x3  }
0x36: {  	p1 =	seq.s32 s10, $0x1;
	s10 =	sld [smem:$0x3FB8];
	_ =	sdelay $0x3  }
0x37: {  	[smem:$0x3FB8] =	sst s10  }
0x38: {  	s10 =	sld [smem:$0x3FB9]  }
0x39: {  	_ = 	snop;
	(pc) =	sbr.ind lr, $3  }
0x3a: {  	_ = 	snop  }
0x3b: {  	_ = 	snop  }
0x3c: {  	p2 =	seq.s32 s10, $0x1;
	s10 =	sld [smem:$0x3FB8]  }
0x3d: {  	_ =	shalt  }
0x3e: {  	_ =	shalt  }
0x3f: {  	_ =	shalt  }
0x40: {  	_ =	shalt  }
0x41: {  	_ =	shalt  }
0x42: {  	_ =	shalt  }
0x43: {  	_ =	shalt  }
0x44: {  	_ =	shalt  }
0x45: {  	_ =	shalt  }
0x46: {  	_ =	shalt  }
0x47: {  	_ =	shalt  }
0x48: {  	_ =	shalt  }
0x49: {  	_ =	shalt  }
0x4a: {  	_ =	shalt  }
0x4b: {  	_ =	shalt  }
0x4c: {  	_ =	shalt  }
0x4d: {  	_ =	shalt  }
0x4e: {  	_ =	shalt  }
0x4f: {  	_ =	shalt  }
0x50: {  	_ =	shalt  }
0x51: {  	_ =	shalt  }
0x52: {  	_ =	shalt  }
0x53: {  	_ =	shalt  }
0x54: {  	_ =	shalt  }
0x55: {  	_ =	shalt  }
0x56: {  	_ =	shalt  }
0x57: {  	_ =	shalt  }
0x58: {  	_ =	shalt  }
0x59: {  	_ =	shalt  }
0x5a: {  	_ =	shalt  }
0x5b: {  	_ =	shalt  }
0x5c: {  	_ =	shalt  }
0x5d: {  	_ =	shalt  }
0x5e: {  	_ =	shalt  }
0x5f: {  	_ =	shalt  }
0x60: {  	_ =	shalt  }
0x61: {  	_ =	shalt  }
0x62: {  	_ =	shalt  }
0x63: {  	_ =	shalt  }
0x64: {  	_ =	shalt  }
0x65: {  	_ =	shalt  }
0x66: {  	_ =	shalt  }
0x67: {  	_ =	shalt  }
0x68: {  	_ =	shalt  }
0x69: {  	_ =	shalt  }
0x6a: {  	_ =	shalt  }
0x6b: {  	_ =	shalt  }
0x6c: {  	_ =	shalt  }
0x6d: {  	_ =	shalt  }
0x6e: {  	_ =	shalt  }
0x6f: {  	_ =	shalt  }
0x70: {  	_ =	shalt  }
0x71: {  	_ =	shalt  }
0x72: {  	_ =	shalt  }
0x73: {  	_ =	shalt  }
0x74: {  	_ =	shalt  }
0x75: {  	_ =	shalt  }
0x76: {  	_ =	shalt  }
0x77: {  	_ =	shalt  }
0x78: {  	_ =	shalt  }
0x79: {  	_ =	shalt  }
0x7a: {  	_ =	shalt  }
0x7b: {  	_ =	shalt  }
0x7c: {  	_ =	shalt  }
0x7d: {  	_ =	shalt  }
0x7e: {  	_ =	shalt  }
0x7f: {  	_ =	shalt  }
0x80: {  	_ =	shalt  }
0x81: {  	_ =	shalt  }
0x82: {  	_ =	shalt  }
0x83: {  	_ =	shalt  }
0x84: {  	_ =	shalt  }
0x85: {  	_ =	shalt  }
0x86: {  	_ =	shalt  }
0x87: {  	_ =	shalt  }
.Lfunc_end0:
.L_simem_size_0:
called_computation.4_lowered:
.L_overlay_start_0:
0x88: {  	s2 =	sld [smem:$0x3FD9]  }
0x89: {  	s3 =	sld [smem:$0x3FFE];
	_ =	sdelay $0x1  }
0x8a: {  	s1 =	srdreg.scid  }
0x8b: {  	s0 =	sand.u32 $0x1, s1  }
0x8c: {  	s17 =	sshll.u32 s0, $0xA;
	s2 =	sadd.s32 s3, s2  }
0x8d: {  	s2 =	sadd.s32 s2, s17  }
0x8e: {  	[smem:$0x3FC4] =	sst s2  }
0x8f: {  	_ = 	snop  }
0x90: {  	s18 =	sld [smem:$0x3FD0];
	(tm) =	ssettm $0x1  }
0x91: {  	s19 =	sld [smem:$0x3FFB];
	_ =	sdelay $0x3  }
0x92: {  	_ =	strace s19  }
0x93: {  	s2 =	sld [smem:$0x3FFC];
	_ =	sdelay $0x3  }
0x94: {  	_ =	strace s2  }
0x95: {  	s2 =	sld [smem:$0x3FFD];
	_ =	sdelay $0x3  }
0x96: {  	_ =	strace s2  }
0x97: {  	_ =	strace $0x8FFFFFFF  }
0x98: {  	s20 =	sld [smem:$0x3FDB];
	_ =	sdelay $0x1  }
0x99: {  	s4 =	simm.s32 $_scs_section_size  }
0x9a: {  	s5 =	simm.s32 $_size__tile_overlayer_lowered;
	s6 =	simm.s32 $_tile_overlayer_lowered  }
0x9b: {  	s7 =	simm.s32 $0x1BFF;
	s21 =	sshll.u32 s6, $0x1;
	s4 =	sadd.s32 s4, s20  }
0x9c: {  	s22 =	simm.s32 $0x0;
	s5 =	sshll.u32 s5, $0x1;
	s6 =	sadd.s32 s21, s4  }
0x9d: {  	[timem:s22], [sflag:s7] =	dma.local [hbm:s6], s5  }
0x9e: {  	_ =	swait.ge [sflag:s7], s5  }
0x9f: {  	s5 =	ssub.s32 $0x0, s5;
	[sflag:s7] =	ssyncset.done $0x0  }
0xa0: {  	[sflag:s7] =	ssyncadd.s32 s5;
	_ =	sdelay $0x1  }
0xa1: {  	s23 =	simm.s32 $0x1B8B  }
0xa2: {  	_ =	swait.ge [sflag:s23], $0x1  }
0xa3: {  	[sflag:s23] =	ssyncset.done $0x0  }
0xa4: {  	[sflag:s23] =	ssyncadd.s32 $0xFFFFFFFF  }
0xa5: {  	s5 =	sld [smem:$0x0]  }
0xa6: {  	s6 =	sand.u32 $0xFFFFFFFE, s1  }
0xa7: {  	p0 =	sne.s32 s1, s6  }
0xa8: {  	s6 =	sshll.u32 @p0 s6, $0xE  }
0xa9: {  	s6 =	sadd.s32 @p0 $0x11B8D, s6;
	s7 =	sshll.u32 @p0 s5, $0x11  }
0xaa: {  	s6 =	sor.u32 @p0 s7, s6  }
0xab: {  	[sflag:s6] =	ssyncadd.remote.s32 @p0 $0x1;
	_ =	sdelay $0x1  }
0xac: {  	s6 =	simm.s32 @p0 $0x1B8D  }
0xad: {  	_ =	swait.eq @p0 [sflag:s6], $0x1  }
0xae: {  	[sflag:s6] =	ssyncadd.s32 @p0 $0xFFFFFFFF  }
0xaf: {  	s7 =	sshll.u32 @!p0 s1, $0xE  }
0xb0: {  	s7 =	sor.u32 @!p0 $0x4000, s7;
	s6 =	simm.s32 @!p0 $0x1B8D  }
0xb1: {  	s5 =	sshll.u32 @!p0 s5, $0x11;
	s7 =	sadd.s32 @!p0 $0x11B8D, s7;
	_ =	swait.eq @!p0 [sflag:s6], $0x1  }
0xb2: {  	s5 =	sor.u32 @!p0 s5, s7;
	[sflag:s6] =	ssyncadd.s32 @!p0 $0xFFFFFFFF  }
0xb3: {  	s25 =	simm.s32 $0x1B8E;
	s24 =	sld [smem:$0x3FFE];
	[sflag:s5] =	ssyncadd.remote.s32 @!p0 $0x1  }
0xb4: {  	s26 =	simm.s32 $execute0_lowered;
	[smem:$0x3FD2] =	sst s25  }
0xb5: {  	s6 =	sshll.u32 s26, $0x1;
	_ =	strace $0x80000055;
	[dreg:$0x1] =	wrdreg $0xFFFFFFFF  }
0xb6: {  	s28 =	simm.s32 $_size_execute0_lowered;
	s4 =	sadd.s32 s4, s6;
	[dreg:$0x0] =	wrdreg $0x0  }
0xb7: {  	s6 =	sshll.u32 s28, $0x1;
	[dreg:$0x2] =	wrdreg s4  }
0xb8: {  	[dreg:$0x3] =	wrdreg s6  }
0xb9: {  	[dreg:$0x4] =	wrdreg $0xC0  }
0xba: {  	_ =	task [dreg:s22], $0x5FFFF  }
0xbb: {  	[dreg:$0x1] =	wrdreg $0xFFFFFFFF  }
0xbc: {  	[dreg:$0x0] =	wrdreg $0x60  }
0xbd: {  	[dreg:$0x2] =	wrdreg s24  }
0xbe: {  	[dreg:$0x3] =	wrdreg s18  }
0xbf: {  	[dreg:$0x4] =	wrdreg $0x9  }
0xc0: {  	_ =	task.clear_ibuf [dreg:s22], $0x5FFFF;
	_ =	strace $0x90000055  }
0xc1: {  	s29 =	simm.s32 $0x9;
	_ =	strace $0x80000057  }
0xc2: {  	_ =	swait.ge [sflag:s29], $0x1  }
0xc3: {  	[sflag:s29] =	ssyncadd.s32 $0xFFFFFFFF  }
0xc4: {  	_ =	strace $0x90000057  }
0xc5: {  	_ =	sfence  }
0xc6: {  	s30 =	sld [smem:$0x0];
	_ =	sdelay $0x2  }
0xc7: {  	s31 =	sshll.u32 s1, $0xD;
	s1 =	sshrl.u32 s1, $0x2  }
0xc8: {  	s4 =	sand.u32 $0x4000, s31;
	s1 =	sadd.s32 s1, s30  }
0xc9: {  	s0 =	sor.u32 s4, s0;
	s1 =	sshll.u32 s1, $0x11  }
0xca: {  	s0 =	sor.u32 s1, s0  }
0xcb: {  	s0 =	sadd.s32 $0x8F2B, s0  }
0xcc: {  	[sflag:s0] =	ssyncadd.remote.s32 $0x1  }
0xcd: {  	_ =	sfence.sel $0xFFFF  }
0xce: {  	[dreg:$0x0] =	wrdreg $0xFFFFFFFF;
	(pc) =	sbr.abs _section_cstart, $3  }
0xcf: {  	[dreg:$0x1] =	wrdreg $0xFFFFFFFF  }
0xd0: {  	_ =	task.clear_ibuf [dreg:s22], $0x2FFFF;
	_ =	strace $0x9FFFFFFF  }
0xd1: {  	(tm) =	ssettm $0x7FFFFFFF  }
tec
execute0_lowered:
.L_overlay_start_1:
0x0: {  	(tag) =	ssettag $0x1  }
0x1: {  	s2 =	rddreg [dreg:$0x0]  }
0x2: {  	s3 =	rddreg [dreg:$0x1]  }
0x3: {  	s0 =	rddreg [dreg:$0x2];
	s1 =	srdreg.scid;
	_ =	strace $0x80000056  }
0x4: {  	s4 =	simm.s32 $0x1;
	s9 =	simm.s32 $0x3;
	s5 =	sshll.u32 s1, $0x4  }
.Ltmp0:
0x5: {  	s1 =	stileid.u32;
	s5 =	sand.u32 $0x10, s5;
	(pc) =	sbr.rel .LBB2_1-.Ltmp0, $4  }
0x6: {  	s11 =	simm.s32 $0x0;
	p0 =	por $0x0, $0x0;
	s6 =	sor.u32 s1, s5  }
0x7: {  	[sflag:s4] =	ssyncpa.u1 $0x0;
	s5 =	simm.s32 $0x2;
	s6 =	sshll.u32 s6, $0x6  }
0x8: {  	s7 =	sadd.s32 $0x800, s2;
	[sflag:s5] =	ssyncpa.u1 $0x0;
	s8 =	sadd.s32 $0x40, s6  }
0x9: {  	vm0 =	vmmov $0xff;
	vm1 =	vcmask $0x3F20;
	[sflag:s9] =	ssyncpa.u1 $0x0;
	s10 =	smov.u32 s6;
	s9 =	simm.s32 $0x0  }
.LBB2_9:
0xa: {  	p1 =	slt.u32 s9, $0x2;
	s11 =	sadd.s32 $0x20, s10  }
0xb: {  	s13 =	smov.u32 s6;
	s9 =	sadd.s32 $0x1, s9;
	p2 =	slt.s32 s11, s8  }
0xc: {  	s13 =	smov.u32 @p2 s11;
	p2 =	sne.s32 s9, $0x4  }
.Ltmp1:
0xd: {  	_ = 	snop;
	(pc) =	sbr.rel @!p2 .LBB2_10-.Ltmp1, $4  }
0xe: {  	s12 =	simm.s32 @!p1 $0x3  }
0xf: {  	_ =	swait.ge @!p1 [sflag:s12], $0x8000  }
0x10: {  	p0 =	por !p0, !p0;
	[sflag:s12] =	ssyncset.done @!p1 $0x0  }
0x11: {  	s11 =	smov.u32 s10;
	s10 =	smov.u32 s13;
	[sflag:s12] =	ssyncadd.s32 @!p1 $0xFFFF8000  }
.LBB2_1:
0x12: {  	p1 =	sgt.u32 s9, $0x1  }
0x13: {  	s12 =	sshll.u32 @!p1 s9, $0x5;
	s13 =	sshrl.u32 @!p1 s10, $0x3  }
0x14: {  	s14 =	sand.u32 @!p1 $0x7, s10;
	s12 =	sxor.u32 @!p1 $0x20, s12;
	s13 =	sadd.s32 @!p1 s2, s13  }
0x15: {  	[tilespmem:s12], [sflag:$0x2] =	stream.linear.gather @!p1 [hbm4b:s13+s14], $0x20, $0x38;
	[tilespmem:$0x10040] =	vst v63  }
0x16: {  	p1 =	seq.s32 s9, $0x0  }
0x17: {  	p2 =	seq.s32 @!p1 s9, $0x3  }
0x18: {  	p1 =	por p1, p2  }
.Ltmp2:
0x19: {  	_ = 	snop;
	(pc) =	sbr.rel @p1 .LBB2_9-.Ltmp2, $1  }
0x1a: {  	_ =	sdelay $0x3  }
0x1b: {  	s12 =	simm.s32 $0x1  }
0x1c: {  	_ =	swait.ge [sflag:s5], $0x20;
	s13 =	sand.u32 $0x1, s9;
	s12 =	simm.s32 @!p0 $0x0  }
0x1d: {  	s15 =	simm.s32 $0x0;
	p2 =	por $0x1, $0x1;
	s12 =	sshll.u32 s12, $0x11  }
0x1e: {  	[sflag:s5] =	ssyncset.done $0x0;
	s13 =	sshll.u32 s13, $0x5;
	s14 =	sshrl.u32 s12, $0x2  }
0x1f: {  	[sflag:s5] =	ssyncadd.s32 $0xFFFFFFE0;
	s12 =	sor.u32 $0x40, s14;
	s14 =	sadd.s32 $0x40, s14  }
.LBB2_3:
0x20: {  	s16 =	sshll.u32 s15, $0x4  }
0x21: {  	s16 =	sand.u32 $0x3FFFFFF0, s16  }
0x22: {  	s16 =	sadd.s32 s16, s13  }
0x23: {  	v0 =	vld.msk [tilespmem:s16+$0x0 ss:$0x1], $0xffff;
	_ =	sdelay $0x4  }
0x24: {  	vm2 =	vgt.s32 v0, $0x0  }
0x25: {  	v0 =	vnsel vm2, $0x0, v0  }
0x26: {  	v0 =	vmin.u32 v0, $0x1FBF  }
0x27: {  	v1 =	vshll.u32 v0, $0x7;
	v0 =	vshll.u32 v0, $0x4  }
0x28: {  	v1 =	vand.u32 $0xFFC00, v1;
	v0 =	vand.u32 $0x70, v0  }
0x29: {  	v0 =	vor.u32 v0, v1  }
0x2a: {  	s31 =	sshll.u32 s15, $0x10  }
0x2b: {  	s15 =	sshra.s32 s31, $0x2  }
0x2c: {  	s15 =	sadd.s32 s15, s14  }
0x2d: {  	s17 =	sadd.s32 $0x0, s15  }
0x2e: {  	[tilespmem:s17], [sflag:$0x1] =	stream.indirect_vreg.gather [hbm:s7], $0x80, v0, vm0, $0x38;
	[tilespmem:$0x10040] =	vst v63  }
0x2f: {  	p1 =	por p2, p2;
	s16 =	simm.s32 $0x1000;
	v1 =	vadd.s32 $0x80, v0;
	s17 =	sadd.s32 $0x2000, s17  }
.LBB2_4:
0x30: {  	[tilespmem:s17], [sflag:$0x1] =	stream.indirect_vreg.gather [hbm:s7], $0x80, v0, vm1, $0x38;
	[tilespmem:$0x10040] =	vst v63  }
0x31: {  	v0 =	vmov v1;
	s17 =	smov.u32 s16;
	p2 =	sne.s32 s16, $0x7000  }
.Ltmp3:
0x32: {  	s16 =	sadd.s32 $0x1000, s16;
	(pc) =	sbr.rel @p2 .LBB2_4-.Ltmp3, $4  }
0x33: {  	s17 =	sshra.s32 s17, $0x2  }
0x34: {  	s17 =	sadd.s32 s17, s15  }
0x35: {  	[tilespmem:s17], [sflag:$0x1] =	stream.indirect_vreg.gather [hbm:s7], $0x80, v1, vm0, $0x38;
	[tilespmem:$0x10040] =	vst v63  }
0x36: {  	s17 =	sadd.s32 $0x2000, s17;
	v1 =	vadd.s32 $0x80, v1  }
0x37: {  	_ = 	snop  }
.Ltmp4:
0x38: {  	_ = 	snop;
	(pc) =	sbr.rel @p1 .LBB2_3-.Ltmp4, $3  }
0x39: {  	_ =	sdelay $0x1  }
0x3a: {  	[tilespmem:s17], [sflag:$0x1] =	stream.indirect_vreg.gather [hbm:s7], $0x80, v0, vm1, $0x38;
	[tilespmem:$0x10040] =	vst v63  }
0x3b: {  	s15 =	simm.s32 $0x1;
	p2 =	por $0x0, $0x0  }
0x3c: {  	s13 =	sshll.u32 s11, $0x7  }
0x3d: {  	s31 =	sshll.u32 s11, $0x4;
	s13 =	sand.u32 $0xFFFFFC00, s13  }
0x3e: {  	_ =	swait.ge [sflag:s4], $0x8000;
	s11 =	sand.u32 $0x70, s31;
	s13 =	sadd.s32 s13, s3  }
0x3f: {  	s14 =	sadd.s32 $0x2000, s12;
	[sflag:s4] =	ssyncset.done $0x0;
	s11 =	sadd.s32 s11, s13  }
0x40: {  	[sflag:s4] =	ssyncadd.s32 $0xFFFF8000;
	s13 =	simm.s32 $0x400;
	s15 =	sadd.s32 $0x0, s11  }
.LBB2_7:
0x41: {  	[hbm:s15] =	stream.linear.scatter [tilespmem:s12], [sflag:$0x3], $0x2000, $0x38;
	[tilespmem:$0x10040] =	vst v63  }
0x42: {  	s15 =	smov.u32 s13;
	s12 =	smov.u32 s14;
	p1 =	sne.s32 s13, $0xC00  }
.Ltmp5:
0x43: {  	s13 =	sadd.s32 $0x400, s13;
	(pc) =	sbr.rel @p1 .LBB2_7-.Ltmp5, $2  }
0x44: {  	_ =	sdelay $0x2  }
0x45: {  	s14 =	sadd.s32 $0x2000, s14;
	s15 =	sadd.s32 s15, s11  }
.Ltmp6:
0x46: {  	(pc) =	sbr.rel .LBB2_9-.Ltmp6, $2  }
0x47: {  	_ =	sdelay $0x2  }
0x48: {  	[hbm:s15] =	stream.linear.scatter [tilespmem:s12], [sflag:$0x3], $0x2000, $0x38;
	[tilespmem:$0x10040] =	vst v63  }
.LBB2_10:
0x49: {  	_ =	sfence.sel $0x180000  }
0x4a: {  	s2 =	simm.s32 $0x2;
	[bflag:$0x0] =	sbarrier.arrive $0xFFFF  }
0x4b: {  	s30 =	simm.s32 $0x3;
	[sflag:s2] =	ssyncpa.u1 $0x1  }
0x4c: {  	s31 =	simm.s32 $0x1;
	[sflag:s30] =	ssyncpa.u1 $0x1  }
0x4d: {  	[sflag:s31] =	ssyncpa.u1 $0x1  }
0x4e: {  	p0 =	sne.s32 s1, $0x0;
	_ =	strace $0x90000056  }
0x4f: {  	s0 =	sadd.s32 @!p0 $0x100000, s0;
	[bflag:$0x2] =	sbarrier.arrive $0xFFFF  }
0x50: {  	[sflag:s0] =	ssyncadd.tile.s32 @!p0 $0x1;
	_ =	shalt  }
.Lfunc_end2:
_tile_overlayer_lowered:
.L_overlay_start_2:
0x51: {  	(tag) =	ssettag $0x2  }
0x52: {  	s0 =	rddreg [dreg:$0x0];
	s2 =	stileid.u32  }
0x53: {  	s1 =	rddreg [dreg:$0x1];
	p0 =	sne.s32 s2, $0x0  }
0x54: {  	s3 =	rddreg [dreg:$0x2];
	[bflag:$0x3] =	sbarrier.arrive $0xFFFF;
	s2 =	simm.s32 @!p0 $0x1C01  }
0x55: {  	[timem:s3], [sflag:s2] =	dma.local @!p0 [hbm:s0], s1  }
0x56: {  	s0 =	simm.s32 @!p0 $0x1  }
0x57: {  	_ =	swait.ge @!p0 [sflag:s0], s1  }
0x58: {  	s1 =	ssub.s32 @!p0 $0x0, s1;
	[sflag:s0] =	ssyncset.done @!p0 $0x0  }
0x59: {  	[sflag:s0] =	ssyncadd.s32 @!p0 s1  }
0x5a: {  	[bflag:$0x3] =	sbarrier.arrive $0xFFFF  }
0x5b: {  	_ =	shalt  }

// kernel: gather_offload_async_start.4
scs
__scs_entry_jumppad:
0x0: {  	(pc) =	sbr.rel $0x88, $3  }
0x1: {  	(tag) =	ssettag $0x0;
	lr =	simm.s32 $0x1  }
0x2: {  	[smem:$0x3F9D] =	sst lr;
	_ =	strace $0xD0000000  }
0x3: {  	_ = 	snop  }
0x4: {  	_ = 	snop  }
0x5: {  	_ = 	snop  }
0x6: {  	_ = 	snop  }
0x7: {  	_ = 	snop  }
__scs_overlays_trampoline_lowered:
0x8: {  	[smem:$0x3FAC] =	sst s0  }
0x9: {  	[smem:$0x3FAD] =	sst s1  }
0xa: {  	[smem:$0x3FAE] =	sst s2  }
0xb: {  	[smem:$0x3FAF] =	sst s3  }
0xc: {  	[smem:$0x3FB0] =	sst s4  }
0xd: {  	[smem:$0x3FB1] =	sst s5  }
0xe: {  	[smem:$0x3FB2] =	sst s6  }
0xf: {  	[smem:$0x3FB3] =	sst s7  }
0x10: {  	[smem:$0x3FB4] =	sst s8  }
0x11: {  	[smem:$0x3FB5] =	sst s9;
	s0 =	simm.s32 @!p0 $0x0  }
0x12: {  	s1 =	sld [smem:$0x3F9B];
	s0 =	simm.s32 @p0 $0x1  }
0x13: {  	[smem:$0x3FB6] =	sst s0;
	s0 =	simm.s32 @!p1 $0x0  }
0x14: {  	s2 =	sld [smem:$0x3F9A];
	s0 =	simm.s32 @p1 $0x1  }
0x15: {  	[smem:$0x3FB7] =	sst s0;
	s0 =	simm.s32 @!p2 $0x0  }
0x16: {  	s3 =	sld [smem:$0x3FDB];
	s0 =	simm.s32 @p2 $0x1  }
0x17: {  	s4 =	simm.s32 $0x1BF5;
	[smem:$0x3FB9] =	sst s0  }
0x18: {  	s0 =	sld [smem:$0x3F9C];
	_ =	swait.ge [sflag:s4], $0x0  }
0x19: {  	s7 =	sld [smem:$0x3F9D]  }
0x1a: {  	s8 =	sadd.s32 $0xFFFFE003, lr  }
0x1b: {  	s9 =	sadd.s32 $0xFFFFFEF7, lr;
	s5 =	simm.s32 $0xFFFFFFFF;
	p2 =	slt.u32 s8, $0xFFFFF086  }
0x1c: {  	p1 =	slt.u32 s9, $0xF7A;
	s5 =	simm.s32 @!p2 $0x0  }
0x1d: {  	s5 =	simm.s32 @p1 $0x1;
	p0 =	seq.s32 s7, s2  }
0x1e: {  	s7 =	smul.u32 @!p0 $0xF7A, s2;
	p2 =	seq.s32 @!p0 s5, $0x0  }
0x1f: {  	s9 =	smul.u32 $0xF7A, s1;
	s8 =	simm.s32 @!p0 $0x1BF5;
	p2 =	por !p2, p0  }
0x20: {  	[sflag:s8] =	ssyncset.s32 @!p0 $0xFFFFF086;
	s6 =	sadd.s32 @!p0 s3, s7;
	s7 =	simm.s32 @!p0 $0x108  }
0x21: {  	s3 =	sadd.s32 s3, s9;
	s6 =	sadd.s32 @!p0 $0x88, s6;
	s7 =	simm.s32 @p2 $0x1082  }
0x22: {  	[simem:s7], [sflag:s8] =	dma.local @!p0 [hbm:s6], $0xF7A  }
0x23: {  	s9 =	sor.u32 $0xD0000000, s2;
	s6 =	simm.s32 $0x108;
	_ =	swait.ge @!p0 [sflag:s8], $0x0  }
0x24: {  	s3 =	sadd.s32 $0x88, s3;
	s6 =	simm.s32 @!p1 $0x1082;
	[sflag:s4] =	ssyncset.s32 $0xFFFFF086  }
0x25: {  	[simem:s6], [sflag:s4] =	dma.local [hbm:s3], $0xF7A  }
0x26: {  	[smem:$0x3F9D] =	sst s1;
	(tag) =	ssettag s2;
	_ =	strace s9  }
0x27: {  	s1 =	sld [smem:$0x3FAD]  }
0x28: {  	s2 =	sld [smem:$0x3FAE]  }
0x29: {  	s4 =	sld [smem:$0x3FB0]  }
0x2a: {  	p0 =	seq.s32 s5, $0x0;
	s5 =	sld [smem:$0x3FB1]  }
0x2b: {  	s6 =	sld [smem:$0x3FB2]  }
0x2c: {  	s7 =	sld [smem:$0x3FB3]  }
0x2d: {  	s3 =	simm.s32 $0x108;
	s8 =	sld [smem:$0x3FB4]  }
0x2e: {  	s3 =	simm.s32 @!p0 $0x1082;
	s9 =	sld [smem:$0x3FB5]  }
0x2f: {  	lr =	sadd.s32 s0, s3;
	s0 =	sld [smem:$0x3FAC]  }
0x30: {  	s3 =	sld [smem:$0x3FAF]  }
0x31: {  	[smem:$0x3FB8] =	sst s10  }
0x32: {  	s10 =	sld [smem:$0x3FB6];
	_ =	sdelay $0x3  }
0x33: {  	p0 =	seq.s32 s10, $0x1;
	s10 =	sld [smem:$0x3FB8];
	_ =	sdelay $0x3  }
0x34: {  	[smem:$0x3FB8] =	sst s10  }
0x35: {  	s10 =	sld [smem:$0x3FB7];
	_ =	sdelay $0x3  }
0x36: {  	p1 =	seq.s32 s10, $0x1;
	s10 =	sld [smem:$0x3FB8];
	_ =	sdelay $0x3  }
0x37: {  	[smem:$0x3FB8] =	sst s10  }
0x38: {  	s10 =	sld [smem:$0x3FB9]  }
0x39: {  	_ = 	snop;
	(pc) =	sbr.ind lr, $3  }
0x3a: {  	_ = 	snop  }
0x3b: {  	_ = 	snop  }
0x3c: {  	p2 =	seq.s32 s10, $0x1;
	s10 =	sld [smem:$0x3FB8]  }
0x3d: {  	_ =	shalt  }
0x3e: {  	_ =	shalt  }
0x3f: {  	_ =	shalt  }
0x40: {  	_ =	shalt  }
0x41: {  	_ =	shalt  }
0x42: {  	_ =	shalt  }
0x43: {  	_ =	shalt  }
0x44: {  	_ =	shalt  }
0x45: {  	_ =	shalt  }
0x46: {  	_ =	shalt  }
0x47: {  	_ =	shalt  }
0x48: {  	_ =	shalt  }
0x49: {  	_ =	shalt  }
0x4a: {  	_ =	shalt  }
0x4b: {  	_ =	shalt  }
0x4c: {  	_ =	shalt  }
0x4d: {  	_ =	shalt  }
0x4e: {  	_ =	shalt  }
0x4f: {  	_ =	shalt  }
0x50: {  	_ =	shalt  }
0x51: {  	_ =	shalt  }
0x52: {  	_ =	shalt  }
0x53: {  	_ =	shalt  }
0x54: {  	_ =	shalt  }
0x55: {  	_ =	shalt  }
0x56: {  	_ =	shalt  }
0x57: {  	_ =	shalt  }
0x58: {  	_ =	shalt  }
0x59: {  	_ =	shalt  }
0x5a: {  	_ =	shalt  }
0x5b: {  	_ =	shalt  }
0x5c: {  	_ =	shalt  }
0x5d: {  	_ =	shalt  }
0x5e: {  	_ =	shalt  }
0x5f: {  	_ =	shalt  }
0x60: {  	_ =	shalt  }
0x61: {  	_ =	shalt  }
0x62: {  	_ =	shalt  }
0x63: {  	_ =	shalt  }
0x64: {  	_ =	shalt  }
0x65: {  	_ =	shalt  }
0x66: {  	_ =	shalt  }
0x67: {  	_ =	shalt  }
0x68: {  	_ =	shalt  }
0x69: {  	_ =	shalt  }
0x6a: {  	_ =	shalt  }
0x6b: {  	_ =	shalt  }
0x6c: {  	_ =	shalt  }
0x6d: {  	_ =	shalt  }
0x6e: {  	_ =	shalt  }
0x6f: {  	_ =	shalt  }
0x70: {  	_ =	shalt  }
0x71: {  	_ =	shalt  }
0x72: {  	_ =	shalt  }
0x73: {  	_ =	shalt  }
0x74: {  	_ =	shalt  }
0x75: {  	_ =	shalt  }
0x76: {  	_ =	shalt  }
0x77: {  	_ =	shalt  }
0x78: {  	_ =	shalt  }
0x79: {  	_ =	shalt  }
0x7a: {  	_ =	shalt  }
0x7b: {  	_ =	shalt  }
0x7c: {  	_ =	shalt  }
0x7d: {  	_ =	shalt  }
0x7e: {  	_ =	shalt  }
0x7f: {  	_ =	shalt  }
0x80: {  	_ =	shalt  }
0x81: {  	_ =	shalt  }
0x82: {  	_ =	shalt  }
0x83: {  	_ =	shalt  }
0x84: {  	_ =	shalt  }
0x85: {  	_ =	shalt  }
0x86: {  	_ =	shalt  }
0x87: {  	_ =	shalt  }
.Lfunc_end0:
.L_simem_size_0:
called_computation.5_lowered:
.L_overlay_start_0:
0x88: {  	s2 =	sld [smem:$0x3FD9]  }
0x89: {  	s3 =	sld [smem:$0x3FFE];
	_ =	sdelay $0x1  }
0x8a: {  	s1 =	srdreg.scid  }
0x8b: {  	s0 =	sand.u32 $0x1, s1  }
0x8c: {  	s16 =	sshll.u32 s0, $0xA;
	s2 =	sadd.s32 s3, s2  }
0x8d: {  	s2 =	sadd.s32 s2, s16  }
0x8e: {  	[smem:$0x3FC4] =	sst s2  }
0x8f: {  	_ = 	snop  }
0x90: {  	(tm) =	ssettm $0x1  }
0x91: {  	s17 =	sld [smem:$0x3FFB];
	_ =	sdelay $0x3  }
0x92: {  	_ =	strace s17  }
0x93: {  	s2 =	sld [smem:$0x3FFC];
	_ =	sdelay $0x3  }
0x94: {  	_ =	strace s2  }
0x95: {  	s2 =	sld [smem:$0x3FFD];
	_ =	sdelay $0x3  }
0x96: {  	_ =	strace s2  }
0x97: {  	_ =	strace $0x8FFFFFFF  }
0x98: {  	s18 =	sld [smem:$0x3FDB];
	_ =	sdelay $0x1  }
0x99: {  	s19 =	simm.s32 $_scs_section_size  }
0x9a: {  	s4 =	simm.s32 $_size__tile_overlayer_lowered;
	s5 =	simm.s32 $_tile_overlayer_lowered  }
0x9b: {  	s22 =	simm.s32 $0x1BFF;
	s21 =	sshll.u32 s5, $0x1;
	s2 =	sadd.s32 s19, s18  }
0x9c: {  	s6 =	simm.s32 $0x0;
	s20 =	sshll.u32 s4, $0x1;
	s4 =	sadd.s32 s21, s2  }
0x9d: {  	[timem:s6], [sflag:s22] =	dma.local [hbm:s4], s20  }
0x9e: {  	_ =	swait.ge [sflag:s22], s20  }
0x9f: {  	s3 =	ssub.s32 $0x0, s20;
	[sflag:s22] =	ssyncset.done $0x0  }
0xa0: {  	[sflag:s22] =	ssyncadd.s32 s3;
	_ =	sdelay $0x1  }
0xa1: {  	s23 =	simm.s32 $0x1B8B  }
0xa2: {  	_ =	swait.ge [sflag:s23], $0x1  }
0xa3: {  	[sflag:s23] =	ssyncset.done $0x0  }
0xa4: {  	s25 =	simm.s32 $0x1B8E;
	s24 =	sld [smem:$0x3FFE];
	[sflag:s23] =	ssyncadd.s32 $0xFFFFFFFF  }
0xa5: {  	s26 =	simm.s32 $execute0_lowered;
	[smem:$0x3FD2] =	sst s25  }
0xa6: {  	s4 =	sshll.u32 s26, $0x1;
	_ =	strace $0x80000052;
	[dreg:$0x1] =	wrdreg $0xFFFFFFFF  }
0xa7: {  	s28 =	simm.s32 $_size_execute0_lowered;
	s2 =	sadd.s32 s2, s4;
	[dreg:$0x0] =	wrdreg $0x0  }
0xa8: {  	s4 =	sshll.u32 s28, $0x1;
	[dreg:$0x2] =	wrdreg s2  }
0xa9: {  	[dreg:$0x3] =	wrdreg s4  }
0xaa: {  	[dreg:$0x4] =	wrdreg $0xC0  }
0xab: {  	_ =	task [dreg:s6], $0x5FFFF  }
0xac: {  	[dreg:$0x1] =	wrdreg $0xFFFFFFFF  }
0xad: {  	[dreg:$0x0] =	wrdreg $0x60  }
0xae: {  	[dreg:$0x2] =	wrdreg s24  }
0xaf: {  	[dreg:$0x3] =	wrdreg $0xA  }
0xb0: {  	_ =	task.clear_ibuf [dreg:s6], $0x4FFFF;
	_ =	strace $0x90000052  }
0xb1: {  	s29 =	simm.s32 $0xA;
	_ =	strace $0x80000054  }
0xb2: {  	_ =	swait.ge [sflag:s29], $0x1  }
0xb3: {  	[sflag:s29] =	ssyncadd.s32 $0xFFFFFFFF  }
0xb4: {  	_ =	strace $0x90000054  }
0xb5: {  	_ =	sfence  }
0xb6: {  	s30 =	sld [smem:$0x0];
	_ =	sdelay $0x2  }
0xb7: {  	s31 =	sshll.u32 s1, $0xD;
	s1 =	sshrl.u32 s1, $0x2  }
0xb8: {  	s3 =	sand.u32 $0x4000, s31;
	s1 =	sadd.s32 s1, s30  }
0xb9: {  	s0 =	sor.u32 s3, s0;
	s1 =	sshll.u32 s1, $0x11  }
0xba: {  	s0 =	sor.u32 s1, s0  }
0xbb: {  	s0 =	sadd.s32 $0x8F2B, s0  }
0xbc: {  	[sflag:s0] =	ssyncadd.remote.s32 $0x1  }
0xbd: {  	_ =	sfence.sel $0xFFFF  }
0xbe: {  	[dreg:$0x0] =	wrdreg $0xFFFFFFFF;
	(pc) =	sbr.abs _section_cstart, $3  }
0xbf: {  	[dreg:$0x1] =	wrdreg $0xFFFFFFFF  }
0xc0: {  	_ =	task.clear_ibuf [dreg:s6], $0x2FFFF;
	_ =	strace $0x9FFFFFFF  }
0xc1: {  	(tm) =	ssettm $0x7FFFFFFF  }
tec
execute0_lowered:
.L_overlay_start_1:
0x0: {  	(tag) =	ssettag $0x1  }
0x1: {  	s7 =	rddreg [dreg:$0x0]  }
0x2: {  	s0 =	rddreg [dreg:$0x1];
	_ =	strace $0x80000053  }
0x3: {  	s1 =	srdreg.scid;
	s4 =	simm.s32 $0x1;
	s9 =	simm.s32 $0x3  }
0x4: {  	s11 =	simm.s32 $0x0;
	p0 =	por $0x0, $0x0;
	s5 =	sshll.u32 s1, $0x4  }
.Ltmp0:
0x5: {  	s1 =	stileid.u32;
	s5 =	sand.u32 $0x10, s5;
	(pc) =	sbr.rel .LBB2_1-.Ltmp0, $4  }
0x6: {  	s2 =	sadd.s32 $0x800, s7;
	s3 =	sadd.s32 $0x600, s7;
	s6 =	sor.u32 s1, s5  }
0x7: {  	[sflag:s4] =	ssyncpa.u1 $0x0;
	s5 =	simm.s32 $0x2;
	s6 =	sshll.u32 s6, $0x6  }
0x8: {  	s7 =	sadd.s32 $0xFE800, s7;
	[sflag:s5] =	ssyncpa.u1 $0x0;
	s8 =	sadd.s32 $0x40, s6  }
0x9: {  	vm0 =	vmmov $0xff;
	vm1 =	vcmask $0x3F20;
	[sflag:s9] =	ssyncpa.u1 $0x0;
	s10 =	smov.u32 s6;
	s9 =	simm.s32 $0x0  }
.LBB2_9:
0xa: {  	p1 =	slt.u32 s9, $0x2;
	s11 =	sadd.s32 $0x20, s10  }
0xb: {  	s13 =	smov.u32 s6;
	s9 =	sadd.s32 $0x1, s9;
	p2 =	slt.s32 s11, s8  }
0xc: {  	s13 =	smov.u32 @p2 s11;
	p2 =	sne.s32 s9, $0x4  }
.Ltmp1:
0xd: {  	_ = 	snop;
	(pc) =	sbr.rel @!p2 .LBB2_10-.Ltmp1, $4  }
0xe: {  	s12 =	simm.s32 @!p1 $0x3  }
0xf: {  	_ =	swait.ge @!p1 [sflag:s12], $0x8000  }
0x10: {  	p0 =	por !p0, !p0;
	[sflag:s12] =	ssyncset.done @!p1 $0x0  }
0x11: {  	s11 =	smov.u32 s10;
	s10 =	smov.u32 s13;
	[sflag:s12] =	ssyncadd.s32 @!p1 $0xFFFF8000  }
.LBB2_1:
0x12: {  	p1 =	sgt.u32 s9, $0x1  }
0x13: {  	s12 =	sshll.u32 @!p1 s9, $0x5;
	s13 =	sshrl.u32 @!p1 s10, $0x3  }
0x14: {  	s14 =	sand.u32 @!p1 $0x7, s10;
	s12 =	sxor.u32 @!p1 $0x20, s12;
	s13 =	sadd.s32 @!p1 s3, s13  }
0x15: {  	[tilespmem:s12], [sflag:$0x2] =	stream.linear.gather @!p1 [hbm4b:s13+s14], $0x20, $0x38;
	[tilespmem:$0x10040] =	vst v63  }
0x16: {  	p1 =	seq.s32 s9, $0x0  }
0x17: {  	p2 =	seq.s32 @!p1 s9, $0x3  }
0x18: {  	p1 =	por p1, p2  }
.Ltmp2:
0x19: {  	_ = 	snop;
	(pc) =	sbr.rel @p1 .LBB2_9-.Ltmp2, $1  }
0x1a: {  	_ =	sdelay $0x3  }
0x1b: {  	s12 =	simm.s32 $0x1  }
0x1c: {  	_ =	swait.ge [sflag:s5], $0x20;
	s13 =	sand.u32 $0x1, s9;
	s12 =	simm.s32 @!p0 $0x0  }
0x1d: {  	s15 =	simm.s32 $0x0;
	p2 =	por $0x1, $0x1;
	s12 =	sshll.u32 s12, $0x11  }
0x1e: {  	[sflag:s5] =	ssyncset.done $0x0;
	s13 =	sshll.u32 s13, $0x5;
	s14 =	sshrl.u32 s12, $0x2  }
0x1f: {  	[sflag:s5] =	ssyncadd.s32 $0xFFFFFFE0;
	s12 =	sor.u32 $0x40, s14;
	s14 =	sadd.s32 $0x40, s14  }
.LBB2_3:
0x20: {  	s16 =	sshll.u32 s15, $0x4  }
0x21: {  	s16 =	sand.u32 $0x3FFFFFF0, s16  }
0x22: {  	s16 =	sadd.s32 s16, s13  }
0x23: {  	v0 =	vld.msk [tilespmem:s16+$0x0 ss:$0x1], $0xffff;
	_ =	sdelay $0x4  }
0x24: {  	vm2 =	vgt.s32 v0, $0x0  }
0x25: {  	v0 =	vnsel vm2, $0x0, v0  }
0x26: {  	v0 =	vmin.u32 v0, $0x1FBF  }
0x27: {  	v1 =	vshll.u32 v0, $0x7;
	v0 =	vshll.u32 v0, $0x4  }
0x28: {  	v1 =	vand.u32 $0xFFC00, v1;
	v0 =	vand.u32 $0x70, v0  }
0x29: {  	v0 =	vor.u32 v0, v1  }
0x2a: {  	s31 =	sshll.u32 s15, $0x10  }
0x2b: {  	s15 =	sshra.s32 s31, $0x2  }
0x2c: {  	s15 =	sadd.s32 s15, s14  }
0x2d: {  	s17 =	sadd.s32 $0x0, s15  }
0x2e: {  	[tilespmem:s17], [sflag:$0x1] =	stream.indirect_vreg.gather [hbm:s2], $0x80, v0, vm0, $0x38;
	[tilespmem:$0x10040] =	vst v63  }
0x2f: {  	p1 =	por p2, p2;
	s16 =	simm.s32 $0x1000;
	v1 =	vadd.s32 $0x80, v0;
	s17 =	sadd.s32 $0x2000, s17  }
.LBB2_4:
0x30: {  	[tilespmem:s17], [sflag:$0x1] =	stream.indirect_vreg.gather [hbm:s2], $0x80, v0, vm1, $0x38;
	[tilespmem:$0x10040] =	vst v63  }
0x31: {  	v0 =	vmov v1;
	s17 =	smov.u32 s16;
	p2 =	sne.s32 s16, $0x7000  }
.Ltmp3:
0x32: {  	s16 =	sadd.s32 $0x1000, s16;
	(pc) =	sbr.rel @p2 .LBB2_4-.Ltmp3, $4  }
0x33: {  	s17 =	sshra.s32 s17, $0x2  }
0x34: {  	s17 =	sadd.s32 s17, s15  }
0x35: {  	[tilespmem:s17], [sflag:$0x1] =	stream.indirect_vreg.gather [hbm:s2], $0x80, v1, vm0, $0x38;
	[tilespmem:$0x10040] =	vst v63  }
0x36: {  	s17 =	sadd.s32 $0x2000, s17;
	v1 =	vadd.s32 $0x80, v1  }
0x37: {  	_ = 	snop  }
.Ltmp4:
0x38: {  	_ = 	snop;
	(pc) =	sbr.rel @p1 .LBB2_3-.Ltmp4, $3  }
0x39: {  	_ =	sdelay $0x1  }
0x3a: {  	[tilespmem:s17], [sflag:$0x1] =	stream.indirect_vreg.gather [hbm:s2], $0x80, v0, vm1, $0x38;
	[tilespmem:$0x10040] =	vst v63  }
0x3b: {  	s15 =	simm.s32 $0x1;
	p2 =	por $0x0, $0x0  }
0x3c: {  	s13 =	sshll.u32 s11, $0x7  }
0x3d: {  	s31 =	sshll.u32 s11, $0x4;
	s13 =	sand.u32 $0xFFFFFC00, s13  }
0x3e: {  	_ =	swait.ge [sflag:s4], $0x8000;
	s11 =	sand.u32 $0x70, s31;
	s13 =	sadd.s32 s13, s7  }
0x3f: {  	s14 =	sadd.s32 $0x2000, s12;
	[sflag:s4] =	ssyncset.done $0x0;
	s11 =	sadd.s32 s11, s13  }
0x40: {  	[sflag:s4] =	ssyncadd.s32 $0xFFFF8000;
	s13 =	simm.s32 $0x400;
	s15 =	sadd.s32 $0x0, s11  }
.LBB2_7:
0x41: {  	[hbm:s15] =	stream.linear.scatter [tilespmem:s12], [sflag:$0x3], $0x2000, $0x38;
	[tilespmem:$0x10040] =	vst v63  }
0x42: {  	s15 =	smov.u32 s13;
	s12 =	smov.u32 s14;
	p1 =	sne.s32 s13, $0xC00  }
.Ltmp5:
0x43: {  	s13 =	sadd.s32 $0x400, s13;
	(pc) =	sbr.rel @p1 .LBB2_7-.Ltmp5, $2  }
0x44: {  	_ =	sdelay $0x2  }
0x45: {  	s14 =	sadd.s32 $0x2000, s14;
	s15 =	sadd.s32 s15, s11  }
.Ltmp6:
0x46: {  	(pc) =	sbr.rel .LBB2_9-.Ltmp6, $2  }
0x47: {  	_ =	sdelay $0x2  }
0x48: {  	[hbm:s15] =	stream.linear.scatter [tilespmem:s12], [sflag:$0x3], $0x2000, $0x38;
	[tilespmem:$0x10040] =	vst v63  }
.LBB2_10:
0x49: {  	_ =	sfence.sel $0x180000  }
0x4a: {  	s2 =	simm.s32 $0x2;
	[bflag:$0x0] =	sbarrier.arrive $0xFFFF  }
0x4b: {  	s30 =	simm.s32 $0x3;
	[sflag:s2] =	ssyncpa.u1 $0x1  }
0x4c: {  	s31 =	simm.s32 $0x1;
	[sflag:s30] =	ssyncpa.u1 $0x1  }
0x4d: {  	[sflag:s31] =	ssyncpa.u1 $0x1  }
0x4e: {  	p0 =	sne.s32 s1, $0x0;
	_ =	strace $0x90000053  }
0x4f: {  	s0 =	sadd.s32 @!p0 $0x100000, s0;
	[bflag:$0x2] =	sbarrier.arrive $0xFFFF  }
0x50: {  	[sflag:s0] =	ssyncadd.tile.s32 @!p0 $0x1;
	_ =	shalt  }
.Lfunc_end2:
_tile_overlayer_lowered:
.L_overlay_start_2:
0x51: {  	(tag) =	ssettag $0x2  }
0x52: {  	s0 =	rddreg [dreg:$0x0];
	s2 =	stileid.u32  }
0x53: {  	s1 =	rddreg [dreg:$0x1];
	p0 =	sne.s32 s2, $0x0  }
0x54: {  	s3 =	rddreg [dreg:$0x2];
	[bflag:$0x3] =	sbarrier.arrive $0xFFFF;
	s2 =	simm.s32 @!p0 $0x1C01  }
0x55: {  	[timem:s3], [sflag:s2] =	dma.local @!p0 [hbm:s0], s1  }
0x56: {  	s0 =	simm.s32 @!p0 $0x1  }
0x57: {  	_ =	swait.ge @!p0 [sflag:s0], s1  }
0x58: {  	s1 =	ssub.s32 @!p0 $0x0, s1;
	[sflag:s0] =	ssyncset.done @!p0 $0x0  }
0x59: {  	[sflag:s0] =	ssyncadd.s32 @!p0 s1  }
0x5a: {  	[bflag:$0x3] =	sbarrier.arrive $0xFFFF  }
0x5b: {  	_ =	shalt  }

// kernel: gather_offload_async_start
scs
__scs_entry_jumppad:
0x0: {  	(pc) =	sbr.rel $0x88, $3  }
0x1: {  	(tag) =	ssettag $0x0;
	lr =	simm.s32 $0x1  }
0x2: {  	[smem:$0x3F9D] =	sst lr;
	_ =	strace $0xD0000000  }
0x3: {  	_ = 	snop  }
0x4: {  	_ = 	snop  }
0x5: {  	_ = 	snop  }
0x6: {  	_ = 	snop  }
0x7: {  	_ = 	snop  }
__scs_overlays_trampoline_lowered:
0x8: {  	[smem:$0x3FAC] =	sst s0  }
0x9: {  	[smem:$0x3FAD] =	sst s1  }
0xa: {  	[smem:$0x3FAE] =	sst s2  }
0xb: {  	[smem:$0x3FAF] =	sst s3  }
0xc: {  	[smem:$0x3FB0] =	sst s4  }
0xd: {  	[smem:$0x3FB1] =	sst s5  }
0xe: {  	[smem:$0x3FB2] =	sst s6  }
0xf: {  	[smem:$0x3FB3] =	sst s7  }
0x10: {  	[smem:$0x3FB4] =	sst s8  }
0x11: {  	[smem:$0x3FB5] =	sst s9;
	s0 =	simm.s32 @!p0 $0x0  }
0x12: {  	s1 =	sld [smem:$0x3F9B];
	s0 =	simm.s32 @p0 $0x1  }
0x13: {  	[smem:$0x3FB6] =	sst s0;
	s0 =	simm.s32 @!p1 $0x0  }
0x14: {  	s2 =	sld [smem:$0x3F9A];
	s0 =	simm.s32 @p1 $0x1  }
0x15: {  	[smem:$0x3FB7] =	sst s0;
	s0 =	simm.s32 @!p2 $0x0  }
0x16: {  	s3 =	sld [smem:$0x3FDB];
	s0 =	simm.s32 @p2 $0x1  }
0x17: {  	s4 =	simm.s32 $0x1BF5;
	[smem:$0x3FB9] =	sst s0  }
0x18: {  	s0 =	sld [smem:$0x3F9C];
	_ =	swait.ge [sflag:s4], $0x0  }
0x19: {  	s7 =	sld [smem:$0x3F9D]  }
0x1a: {  	s8 =	sadd.s32 $0xFFFFE003, lr  }
0x1b: {  	s9 =	sadd.s32 $0xFFFFFEF7, lr;
	s5 =	simm.s32 $0xFFFFFFFF;
	p2 =	slt.u32 s8, $0xFFFFF086  }
0x1c: {  	p1 =	slt.u32 s9, $0xF7A;
	s5 =	simm.s32 @!p2 $0x0  }
0x1d: {  	s5 =	simm.s32 @p1 $0x1;
	p0 =	seq.s32 s7, s2  }
0x1e: {  	s7 =	smul.u32 @!p0 $0xF7A, s2;
	p2 =	seq.s32 @!p0 s5, $0x0  }
0x1f: {  	s9 =	smul.u32 $0xF7A, s1;
	s8 =	simm.s32 @!p0 $0x1BF5;
	p2 =	por !p2, p0  }
0x20: {  	[sflag:s8] =	ssyncset.s32 @!p0 $0xFFFFF086;
	s6 =	sadd.s32 @!p0 s3, s7;
	s7 =	simm.s32 @!p0 $0x108  }
0x21: {  	s3 =	sadd.s32 s3, s9;
	s6 =	sadd.s32 @!p0 $0x88, s6;
	s7 =	simm.s32 @p2 $0x1082  }
0x22: {  	[simem:s7], [sflag:s8] =	dma.local @!p0 [hbm:s6], $0xF7A  }
0x23: {  	s9 =	sor.u32 $0xD0000000, s2;
	s6 =	simm.s32 $0x108;
	_ =	swait.ge @!p0 [sflag:s8], $0x0  }
0x24: {  	s3 =	sadd.s32 $0x88, s3;
	s6 =	simm.s32 @!p1 $0x1082;
	[sflag:s4] =	ssyncset.s32 $0xFFFFF086  }
0x25: {  	[simem:s6], [sflag:s4] =	dma.local [hbm:s3], $0xF7A  }
0x26: {  	[smem:$0x3F9D] =	sst s1;
	(tag) =	ssettag s2;
	_ =	strace s9  }
0x27: {  	s1 =	sld [smem:$0x3FAD]  }
0x28: {  	s2 =	sld [smem:$0x3FAE]  }
0x29: {  	s4 =	sld [smem:$0x3FB0]  }
0x2a: {  	p0 =	seq.s32 s5, $0x0;
	s5 =	sld [smem:$0x3FB1]  }
0x2b: {  	s6 =	sld [smem:$0x3FB2]  }
0x2c: {  	s7 =	sld [smem:$0x3FB3]  }
0x2d: {  	s3 =	simm.s32 $0x108;
	s8 =	sld [smem:$0x3FB4]  }
0x2e: {  	s3 =	simm.s32 @!p0 $0x1082;
	s9 =	sld [smem:$0x3FB5]  }
0x2f: {  	lr =	sadd.s32 s0, s3;
	s0 =	sld [smem:$0x3FAC]  }
0x30: {  	s3 =	sld [smem:$0x3FAF]  }
0x31: {  	[smem:$0x3FB8] =	sst s10  }
0x32: {  	s10 =	sld [smem:$0x3FB6];
	_ =	sdelay $0x3  }
0x33: {  	p0 =	seq.s32 s10, $0x1;
	s10 =	sld [smem:$0x3FB8];
	_ =	sdelay $0x3  }
0x34: {  	[smem:$0x3FB8] =	sst s10  }
0x35: {  	s10 =	sld [smem:$0x3FB7];
	_ =	sdelay $0x3  }
0x36: {  	p1 =	seq.s32 s10, $0x1;
	s10 =	sld [smem:$0x3FB8];
	_ =	sdelay $0x3  }
0x37: {  	[smem:$0x3FB8] =	sst s10  }
0x38: {  	s10 =	sld [smem:$0x3FB9]  }
0x39: {  	_ = 	snop;
	(pc) =	sbr.ind lr, $3  }
0x3a: {  	_ = 	snop  }
0x3b: {  	_ = 	snop  }
0x3c: {  	p2 =	seq.s32 s10, $0x1;
	s10 =	sld [smem:$0x3FB8]  }
0x3d: {  	_ =	shalt  }
0x3e: {  	_ =	shalt  }
0x3f: {  	_ =	shalt  }
0x40: {  	_ =	shalt  }
0x41: {  	_ =	shalt  }
0x42: {  	_ =	shalt  }
0x43: {  	_ =	shalt  }
0x44: {  	_ =	shalt  }
0x45: {  	_ =	shalt  }
0x46: {  	_ =	shalt  }
0x47: {  	_ =	shalt  }
0x48: {  	_ =	shalt  }
0x49: {  	_ =	shalt  }
0x4a: {  	_ =	shalt  }
0x4b: {  	_ =	shalt  }
0x4c: {  	_ =	shalt  }
0x4d: {  	_ =	shalt  }
0x4e: {  	_ =	shalt  }
0x4f: {  	_ =	shalt  }
0x50: {  	_ =	shalt  }
0x51: {  	_ =	shalt  }
0x52: {  	_ =	shalt  }
0x53: {  	_ =	shalt  }
0x54: {  	_ =	shalt  }
0x55: {  	_ =	shalt  }
0x56: {  	_ =	shalt  }
0x57: {  	_ =	shalt  }
0x58: {  	_ =	shalt  }
0x59: {  	_ =	shalt  }
0x5a: {  	_ =	shalt  }
0x5b: {  	_ =	shalt  }
0x5c: {  	_ =	shalt  }
0x5d: {  	_ =	shalt  }
0x5e: {  	_ =	shalt  }
0x5f: {  	_ =	shalt  }
0x60: {  	_ =	shalt  }
0x61: {  	_ =	shalt  }
0x62: {  	_ =	shalt  }
0x63: {  	_ =	shalt  }
0x64: {  	_ =	shalt  }
0x65: {  	_ =	shalt  }
0x66: {  	_ =	shalt  }
0x67: {  	_ =	shalt  }
0x68: {  	_ =	shalt  }
0x69: {  	_ =	shalt  }
0x6a: {  	_ =	shalt  }
0x6b: {  	_ =	shalt  }
0x6c: {  	_ =	shalt  }
0x6d: {  	_ =	shalt  }
0x6e: {  	_ =	shalt  }
0x6f: {  	_ =	shalt  }
0x70: {  	_ =	shalt  }
0x71: {  	_ =	shalt  }
0x72: {  	_ =	shalt  }
0x73: {  	_ =	shalt  }
0x74: {  	_ =	shalt  }
0x75: {  	_ =	shalt  }
0x76: {  	_ =	shalt  }
0x77: {  	_ =	shalt  }
0x78: {  	_ =	shalt  }
0x79: {  	_ =	shalt  }
0x7a: {  	_ =	shalt  }
0x7b: {  	_ =	shalt  }
0x7c: {  	_ =	shalt  }
0x7d: {  	_ =	shalt  }
0x7e: {  	_ =	shalt  }
0x7f: {  	_ =	shalt  }
0x80: {  	_ =	shalt  }
0x81: {  	_ =	shalt  }
0x82: {  	_ =	shalt  }
0x83: {  	_ =	shalt  }
0x84: {  	_ =	shalt  }
0x85: {  	_ =	shalt  }
0x86: {  	_ =	shalt  }
0x87: {  	_ =	shalt  }
.Lfunc_end0:
.L_simem_size_0:
called_computation.1_lowered:
.L_overlay_start_0:
0x88: {  	s2 =	sld [smem:$0x3FD9]  }
0x89: {  	s3 =	sld [smem:$0x3FFE];
	_ =	sdelay $0x1  }
0x8a: {  	s1 =	srdreg.scid  }
0x8b: {  	s0 =	sand.u32 $0x1, s1  }
0x8c: {  	s17 =	sshll.u32 s0, $0xA;
	s2 =	sadd.s32 s3, s2  }
0x8d: {  	s2 =	sadd.s32 s2, s17  }
0x8e: {  	[smem:$0x3FC4] =	sst s2  }
0x8f: {  	_ = 	snop  }
0x90: {  	s2 =	sld [smem:$0x3FD0];
	(tm) =	ssettm $0x1  }
0x91: {  	s18 =	sld [smem:$0x3FFB];
	_ =	sdelay $0x3  }
0x92: {  	_ =	strace s18  }
0x93: {  	s3 =	sld [smem:$0x3FFC];
	_ =	sdelay $0x3  }
0x94: {  	_ =	strace s3  }
0x95: {  	s3 =	sld [smem:$0x3FFD];
	_ =	sdelay $0x3  }
0x96: {  	_ =	strace s3  }
0x97: {  	_ =	strace $0x8FFFFFFF  }
0x98: {  	s19 =	sld [smem:$0x3FDB];
	_ =	sdelay $0x1  }
0x99: {  	s4 =	simm.s32 $_scs_section_size  }
0x9a: {  	s5 =	simm.s32 $_size__tile_overlayer_lowered;
	s6 =	simm.s32 $_tile_overlayer_lowered  }
0x9b: {  	s22 =	simm.s32 $0x1BFF;
	s21 =	sshll.u32 s6, $0x1;
	s3 =	sadd.s32 s4, s19  }
0x9c: {  	s7 =	simm.s32 $0x0;
	s20 =	sshll.u32 s5, $0x1;
	s5 =	sadd.s32 s21, s3  }
0x9d: {  	[timem:s7], [sflag:s22] =	dma.local [hbm:s5], s20  }
0x9e: {  	_ =	swait.ge [sflag:s22], s20  }
0x9f: {  	s4 =	ssub.s32 $0x0, s20;
	[sflag:s22] =	ssyncset.done $0x0  }
0xa0: {  	[sflag:s22] =	ssyncadd.s32 s4;
	_ =	sdelay $0x1  }
0xa1: {  	s23 =	simm.s32 $0x1B8B  }
0xa2: {  	_ =	swait.ge [sflag:s23], $0x1  }
0xa3: {  	[sflag:s23] =	ssyncset.done $0x0  }
0xa4: {  	s25 =	simm.s32 $0x1B8E;
	s24 =	sld [smem:$0x3FFE];
	[sflag:s23] =	ssyncadd.s32 $0xFFFFFFFF  }
0xa5: {  	s26 =	simm.s32 $execute0_lowered;
	[smem:$0x3FD2] =	sst s25  }
0xa6: {  	s5 =	sshll.u32 s26, $0x1;
	_ =	strace $0x80000049;
	[dreg:$0x1] =	wrdreg $0xFFFFFFFF  }
0xa7: {  	s28 =	simm.s32 $_size_execute0_lowered;
	s3 =	sadd.s32 s3, s5;
	[dreg:$0x0] =	wrdreg $0x0  }
0xa8: {  	s5 =	sshll.u32 s28, $0x1;
	[dreg:$0x2] =	wrdreg s3  }
0xa9: {  	[dreg:$0x3] =	wrdreg s5  }
0xaa: {  	[dreg:$0x4] =	wrdreg $0xC0  }
0xab: {  	_ =	task [dreg:s7], $0x5FFFF  }
0xac: {  	[dreg:$0x1] =	wrdreg $0xFFFFFFFF  }
0xad: {  	[dreg:$0x0] =	wrdreg $0x60  }
0xae: {  	[dreg:$0x2] =	wrdreg s24  }
0xaf: {  	[dreg:$0x3] =	wrdreg s2  }
0xb0: {  	[dreg:$0x4] =	wrdreg $0x9  }
0xb1: {  	_ =	task.clear_ibuf [dreg:s7], $0x5FFFF;
	_ =	strace $0x90000049  }
0xb2: {  	s29 =	simm.s32 $0x9;
	_ =	strace $0x8000004B  }
0xb3: {  	_ =	swait.ge [sflag:s29], $0x1  }
0xb4: {  	[sflag:s29] =	ssyncadd.s32 $0xFFFFFFFF  }
0xb5: {  	_ =	strace $0x9000004B  }
0xb6: {  	_ =	sfence  }
0xb7: {  	s30 =	sld [smem:$0x0];
	_ =	sdelay $0x2  }
0xb8: {  	s31 =	sshll.u32 s1, $0xD;
	s1 =	sshrl.u32 s1, $0x2  }
0xb9: {  	s3 =	sand.u32 $0x4000, s31;
	s1 =	sadd.s32 s1, s30  }
0xba: {  	s0 =	sor.u32 s3, s0;
	s1 =	sshll.u32 s1, $0x11  }
0xbb: {  	s0 =	sor.u32 s1, s0  }
0xbc: {  	s0 =	sadd.s32 $0x8F2B, s0  }
0xbd: {  	[sflag:s0] =	ssyncadd.remote.s32 $0x1  }
0xbe: {  	_ =	sfence.sel $0xFFFF  }
0xbf: {  	[dreg:$0x0] =	wrdreg $0xFFFFFFFF;
	(pc) =	sbr.abs _section_cstart, $3  }
0xc0: {  	[dreg:$0x1] =	wrdreg $0xFFFFFFFF  }
0xc1: {  	_ =	task.clear_ibuf [dreg:s7], $0x2FFFF;
	_ =	strace $0x9FFFFFFF  }
0xc2: {  	(tm) =	ssettm $0x7FFFFFFF  }
0xc3: {  	_ =	shalt  }
tec
execute0_lowered:
.L_overlay_start_1:
0x0: {  	(tag) =	ssettag $0x1  }
0x1: {  	s1 =	srdreg.scid;
	s2 =	rddreg [dreg:$0x0]  }
0x2: {  	s0 =	stileid.u32;
	s3 =	rddreg [dreg:$0x1]  }
0x3: {  	s6 =	simm.s32 $0x1;
	s9 =	simm.s32 $0x1;
	s1 =	sshll.u32 s1, $0x6  }
0x4: {  	s10 =	simm.s32 $0x3;
	s4 =	sshll.u32 s0, $0x7;
	s5 =	sand.u32 $0x40, s1  }
0x5: {  	s13 =	simm.s32 $0x0;
	s12 =	simm.s32 $0x0;
	s4 =	sor.u32 s4, s5  }
0x6: {  	s1 =	rddreg [dreg:$0x2];
	_ =	strace $0x8000004A;
	s8 =	ssub.s32 $0x1000, s4  }
.Ltmp0:
0x7: {  	s5 =	sadd.s32 $0xA00, s2;
	s7 =	sand.u32 $0x7C0, s8;
	(pc) =	sbr.rel .LBB2_1-.Ltmp0, $4  }
0x8: {  	[sflag:s6] =	ssyncpa.u1 $0x0;
	s11 =	smov.u32 s4;
	p0 =	sne.s32 s7, $0x0  }
0x9: {  	s8 =	sshrl.u32 s8, $0xB;
	s7 =	simm.s32 $0x2;
	s9 =	simm.s32 @!p0 $0x0  }
0xa: {  	[sflag:s7] =	ssyncpa.u1 $0x0;
	p0 =	por $0x0, $0x0;
	s8 =	sadd.s32 s9, s8  }
0xb: {  	vm0 =	vmmov $0xffff;
	[sflag:s10] =	ssyncpa.u1 $0x0;
	s10 =	simm.s32 $0x0;
	s9 =	sadd.s32 $0x1, s8  }
.LBB2_4:
0xc: {  	v2 =	vnsel vm1, $0x0, v2  }
0xd: {  	vm1 =	vgt.s32 v0, $0x0;
	v2 =	vmin.u32 v2, $0xFFF  }
0xe: {  	v0 =	vnsel vm1, $0x0, v0  }
0xf: {  	v0 =	vmin.u32 v0, $0xFFF  }
0x10: {  	[tilespmem:s15], [sflag:$0x1] =	stream.indirect_vreg.gather [hbm4b:s2+s10], $0x1, v1, vm0, $0x4038;
	[tilespmem:$0x100] =	vst v63  }
0x11: {  	(ifvalue) =	ssetifvalue $0x7FFFFFFF  }
0x12: {  	[tilespmem:s16], [sflag:$0x1] =	stream.indirect_vreg.gather [hbm4b:s2+s10], $0x1, v2, vm0, $0x4038;
	[tilespmem:$0x100] =	vst v63  }
0x13: {  	s29 =	sadd.s32 $0x10, s16;
	(ifvalue) =	ssetifvalue $0x7FFFFFFF  }
0x14: {  	[tilespmem:s29], [sflag:$0x1] =	stream.indirect_vreg.gather [hbm4b:s2+s10], $0x1, v0, vm0, $0x4038;
	[tilespmem:$0x100] =	vst v63  }
0x15: {  	_ =	swait.ge [sflag:s6], $0x40  }
0x16: {  	s30 =	sshrl.u32 s13, $0x3;
	[sflag:s6] =	ssyncset.done $0x0  }
0x17: {  	s31 =	sand.u32 $0x7, s13;
	s15 =	sadd.s32 s3, s30;
	[sflag:s6] =	ssyncadd.s32 $0xFFFFFFC0  }
0x18: {  	[hbm4b:s15+s31] =	stream.linear.scatter [tilespmem:s14], [sflag:$0x3], $0x40, $0x38;
	[tilespmem:$0x100] =	vst v63  }
.LBB2_5:
0x19: {  	s15 =	sadd.s32 $0x800, s11  }
0x1a: {  	p2 =	sgt.s32 s15, $0xFFF  }
0x1b: {  	s15 =	smov.u32 @p2 s4;
	p2 =	sne.s32 s12, s9  }
.Ltmp1:
0x1c: {  	p1 =	slt.u32 s12, $0x2;
	(pc) =	sbr.rel @!p2 .LBB2_6-.Ltmp1, $4  }
0x1d: {  	s14 =	simm.s32 @!p1 $0x3  }
0x1e: {  	s16 =	sadd.s32 $0x1, s12;
	_ =	swait.ge @!p1 [sflag:s14], $0x40  }
0x1f: {  	s13 =	smov.u32 s11;
	p0 =	por !p0, !p0;
	[sflag:s14] =	ssyncset.done @!p1 $0x0  }
0x20: {  	s12 =	smov.u32 s16;
	s11 =	smov.u32 s15;
	[sflag:s14] =	ssyncadd.s32 @!p1 $0xFFFFFFC0  }
.LBB2_1:
0x21: {  	p1 =	sge.u32 s12, s8  }
0x22: {  	s14 =	sxor.u32 @!p1 $0xFFFFFFFF, s12  }
0x23: {  	s31 =	sadd.s32 $0xFFFFFFFF, s12;
	s15 =	sshrl.u32 @!p1 s11, $0x3;
	s14 =	sshll.u32 @!p1 s14, $0x6  }
0x24: {  	s16 =	sand.u32 @!p1 $0x7, s11;
	s15 =	sadd.s32 @!p1 s5, s15;
	s14 =	sand.u32 @!p1 $0x40, s14  }
0x25: {  	[tilespmem:s14], [sflag:$0x2] =	stream.linear.gather @!p1 [hbm4b:s15+s16], $0x40, $0x38;
	[tilespmem:$0x100] =	vst v63  }
0x26: {  	p1 =	sge.u32 s31, s8  }
.Ltmp2:
0x27: {  	_ = 	snop;
	(pc) =	sbr.rel @p1 .LBB2_5-.Ltmp2, $1  }
0x28: {  	_ =	sdelay $0x3  }
0x29: {  	s14 =	simm.s32 $0x1  }
0x2a: {  	_ =	swait.ge [sflag:s7], $0x40;
	s14 =	simm.s32 @!p0 $0x0  }
0x2b: {  	[sflag:s7] =	ssyncset.done $0x0;
	s14 =	sshll.u32 s14, $0x6  }
0x2c: {  	[sflag:s7] =	ssyncadd.s32 $0xFFFFFFC0;
	(ifvalue) =	ssetifvalue $0x7FFFFFFF;
	v0 =	vld.msk [tilespmem:s14+$0x0 ss:$0x1], $0xffff;
	_ =	sdelay $0x4  }
0x2d: {  	s15 =	sadd.s32 $0x10, s14;
	vm1 =	vgt.s32 v0, $0x0  }
0x2e: {  	v2 =	vld.msk [tilespmem:s15+$0x0 ss:$0x1], $0xffff;
	v1 =	vnsel vm1, $0x0, v0  }
0x2f: {  	v1 =	vmin.u32 v1, $0xFFF;
	_ =	sdelay $0x1  }
0x30: {  	s16 =	sshll.u32 s12, $0x6;
	s18 =	simm.s32 $0x20  }
0x31: {  	s16 =	sand.u32 $0x40, s16;
	s17 =	sadd.s32 $0x10, s15;
	s15 =	sor.u32 $0x80, s14  }
0x32: {  	s14 =	sor.u32 $0x80, s16;
	s16 =	sadd.s32 $0x10, s15;
	v0 =	vld.msk [tilespmem:s17+$0x0 ss:$0x1], $0xffff;
	vm1 =	vgt.s32 v2, $0x0;
	(ifvalue) =	ssetifvalue $0x7FFFFFFF  }
.LBB2_3:
0x33: {  	[tilespmem:s15], [sflag:$0x1] =	stream.indirect_vreg.gather [hbm4b:s2+s10], $0x1, v1, vm0, $0x4038;
	[tilespmem:$0x100] =	vst v63  }
0x34: {  	s18 =	sadd.s32 $0x10, s18  }
0x35: {  	v2 =	vnsel vm1, $0x0, v2;
	p1 =	slt.u32 s18, $0x30  }
.Ltmp3:
0x36: {  	s15 =	smov.u32 s16;
	v1 =	vmin.u32 v2, $0xFFF;
	(pc) =	sbr.rel @p1 .LBB2_3-.Ltmp3, $3  }
0x37: {  	_ =	sdelay $0x1  }
0x38: {  	s17 =	sadd.s32 $0x10, s17  }
0x39: {  	vm1 =	vgt.s32 v0, $0x0;
	s16 =	sadd.s32 $0x10, s16;
	v2 =	vmov v0;
	(ifvalue) =	ssetifvalue $0x7FFFFFFF;
	v0 =	vld.msk [tilespmem:s17+$0x0 ss:$0x1], $0xffff  }
.Ltmp4:
0x3a: {  	_ = 	snop;
	(pc) =	sbr.rel .LBB2_4-.Ltmp4, $1  }
0x3b: {  	_ =	sdelay $0x3  }
.LBB2_6:
0x3c: {  	_ =	sfence.sel $0x180000  }
0x3d: {  	s2 =	simm.s32 $0x2;
	[bflag:$0x0] =	sbarrier.arrive $0xFFFF  }
0x3e: {  	s30 =	simm.s32 $0x3;
	[sflag:s2] =	ssyncpa.u1 $0x1  }
0x3f: {  	s31 =	simm.s32 $0x1;
	[sflag:s30] =	ssyncpa.u1 $0x1  }
0x40: {  	[sflag:s31] =	ssyncpa.u1 $0x1  }
0x41: {  	p0 =	sne.s32 s0, $0x0;
	_ =	strace $0x9000004A  }
0x42: {  	s0 =	sadd.s32 @!p0 $0x100000, s1;
	[bflag:$0x2] =	sbarrier.arrive $0xFFFF  }
0x43: {  	[sflag:s0] =	ssyncadd.tile.s32 @!p0 $0x1;
	_ =	shalt  }
.Lfunc_end2:
_tile_overlayer_lowered:
.L_overlay_start_2:
0x44: {  	(tag) =	ssettag $0x2  }
0x45: {  	s0 =	rddreg [dreg:$0x0];
	s2 =	stileid.u32  }
0x46: {  	s1 =	rddreg [dreg:$0x1];
	p0 =	sne.s32 s2, $0x0  }
0x47: {  	s3 =	rddreg [dreg:$0x2];
	[bflag:$0x3] =	sbarrier.arrive $0xFFFF;
	s2 =	simm.s32 @!p0 $0x1C01  }
0x48: {  	[timem:s3], [sflag:s2] =	dma.local @!p0 [hbm:s0], s1  }
0x49: {  	s0 =	simm.s32 @!p0 $0x1  }
0x4a: {  	_ =	swait.ge @!p0 [sflag:s0], s1  }
0x4b: {  	s1 =	ssub.s32 @!p0 $0x0, s1;
	[sflag:s0] =	ssyncset.done @!p0 $0x0  }
0x4c: {  	[sflag:s0] =	ssyncadd.s32 @!p0 s1  }
0x4d: {  	[bflag:$0x3] =	sbarrier.arrive $0xFFFF  }
0x4e: {  	_ =	shalt  }

// kernel: scatter_offload_async_start
scs
__scs_entry_jumppad:
0x0: {  	(pc) =	sbr.rel $0x88, $3  }
0x1: {  	(tag) =	ssettag $0x0;
	lr =	simm.s32 $0x1  }
0x2: {  	[smem:$0x3F9D] =	sst lr;
	_ =	strace $0xD0000000  }
0x3: {  	_ = 	snop  }
0x4: {  	_ = 	snop  }
0x5: {  	_ = 	snop  }
0x6: {  	_ = 	snop  }
0x7: {  	_ = 	snop  }
__scs_overlays_trampoline_lowered:
0x8: {  	[smem:$0x3FAC] =	sst s0  }
0x9: {  	[smem:$0x3FAD] =	sst s1  }
0xa: {  	[smem:$0x3FAE] =	sst s2  }
0xb: {  	[smem:$0x3FAF] =	sst s3  }
0xc: {  	[smem:$0x3FB0] =	sst s4  }
0xd: {  	[smem:$0x3FB1] =	sst s5  }
0xe: {  	[smem:$0x3FB2] =	sst s6  }
0xf: {  	[smem:$0x3FB3] =	sst s7  }
0x10: {  	[smem:$0x3FB4] =	sst s8  }
0x11: {  	[smem:$0x3FB5] =	sst s9;
	s0 =	simm.s32 @!p0 $0x0  }
0x12: {  	s1 =	sld [smem:$0x3F9B];
	s0 =	simm.s32 @p0 $0x1  }
0x13: {  	[smem:$0x3FB6] =	sst s0;
	s0 =	simm.s32 @!p1 $0x0  }
0x14: {  	s2 =	sld [smem:$0x3F9A];
	s0 =	simm.s32 @p1 $0x1  }
0x15: {  	[smem:$0x3FB7] =	sst s0;
	s0 =	simm.s32 @!p2 $0x0  }
0x16: {  	s3 =	sld [smem:$0x3FDB];
	s0 =	simm.s32 @p2 $0x1  }
0x17: {  	s4 =	simm.s32 $0x1BF5;
	[smem:$0x3FB9] =	sst s0  }
0x18: {  	s0 =	sld [smem:$0x3F9C];
	_ =	swait.ge [sflag:s4], $0x0  }
0x19: {  	s7 =	sld [smem:$0x3F9D]  }
0x1a: {  	s8 =	sadd.s32 $0xFFFFE003, lr  }
0x1b: {  	s9 =	sadd.s32 $0xFFFFFEF7, lr;
	s5 =	simm.s32 $0xFFFFFFFF;
	p2 =	slt.u32 s8, $0xFFFFF086  }
0x1c: {  	p1 =	slt.u32 s9, $0xF7A;
	s5 =	simm.s32 @!p2 $0x0  }
0x1d: {  	s5 =	simm.s32 @p1 $0x1;
	p0 =	seq.s32 s7, s2  }
0x1e: {  	s7 =	smul.u32 @!p0 $0xF7A, s2;
	p2 =	seq.s32 @!p0 s5, $0x0  }
0x1f: {  	s9 =	smul.u32 $0xF7A, s1;
	s8 =	simm.s32 @!p0 $0x1BF5;
	p2 =	por !p2, p0  }
0x20: {  	[sflag:s8] =	ssyncset.s32 @!p0 $0xFFFFF086;
	s6 =	sadd.s32 @!p0 s3, s7;
	s7 =	simm.s32 @!p0 $0x108  }
0x21: {  	s3 =	sadd.s32 s3, s9;
	s6 =	sadd.s32 @!p0 $0x88, s6;
	s7 =	simm.s32 @p2 $0x1082  }
0x22: {  	[simem:s7], [sflag:s8] =	dma.local @!p0 [hbm:s6], $0xF7A  }
0x23: {  	s9 =	sor.u32 $0xD0000000, s2;
	s6 =	simm.s32 $0x108;
	_ =	swait.ge @!p0 [sflag:s8], $0x0  }
0x24: {  	s3 =	sadd.s32 $0x88, s3;
	s6 =	simm.s32 @!p1 $0x1082;
	[sflag:s4] =	ssyncset.s32 $0xFFFFF086  }
0x25: {  	[simem:s6], [sflag:s4] =	dma.local [hbm:s3], $0xF7A  }
0x26: {  	[smem:$0x3F9D] =	sst s1;
	(tag) =	ssettag s2;
	_ =	strace s9  }
0x27: {  	s1 =	sld [smem:$0x3FAD]  }
0x28: {  	s2 =	sld [smem:$0x3FAE]  }
0x29: {  	s4 =	sld [smem:$0x3FB0]  }
0x2a: {  	p0 =	seq.s32 s5, $0x0;
	s5 =	sld [smem:$0x3FB1]  }
0x2b: {  	s6 =	sld [smem:$0x3FB2]  }
0x2c: {  	s7 =	sld [smem:$0x3FB3]  }
0x2d: {  	s3 =	simm.s32 $0x108;
	s8 =	sld [smem:$0x3FB4]  }
0x2e: {  	s3 =	simm.s32 @!p0 $0x1082;
	s9 =	sld [smem:$0x3FB5]  }
0x2f: {  	lr =	sadd.s32 s0, s3;
	s0 =	sld [smem:$0x3FAC]  }
0x30: {  	s3 =	sld [smem:$0x3FAF]  }
0x31: {  	[smem:$0x3FB8] =	sst s10  }
0x32: {  	s10 =	sld [smem:$0x3FB6];
	_ =	sdelay $0x3  }
0x33: {  	p0 =	seq.s32 s10, $0x1;
	s10 =	sld [smem:$0x3FB8];
	_ =	sdelay $0x3  }
0x34: {  	[smem:$0x3FB8] =	sst s10  }
0x35: {  	s10 =	sld [smem:$0x3FB7];
	_ =	sdelay $0x3  }
0x36: {  	p1 =	seq.s32 s10, $0x1;
	s10 =	sld [smem:$0x3FB8];
	_ =	sdelay $0x3  }
0x37: {  	[smem:$0x3FB8] =	sst s10  }
0x38: {  	s10 =	sld [smem:$0x3FB9]  }
0x39: {  	_ = 	snop;
	(pc) =	sbr.ind lr, $3  }
0x3a: {  	_ = 	snop  }
0x3b: {  	_ = 	snop  }
0x3c: {  	p2 =	seq.s32 s10, $0x1;
	s10 =	sld [smem:$0x3FB8]  }
0x3d: {  	_ =	shalt  }
0x3e: {  	_ =	shalt  }
0x3f: {  	_ =	shalt  }
0x40: {  	_ =	shalt  }
0x41: {  	_ =	shalt  }
0x42: {  	_ =	shalt  }
0x43: {  	_ =	shalt  }
0x44: {  	_ =	shalt  }
0x45: {  	_ =	shalt  }
0x46: {  	_ =	shalt  }
0x47: {  	_ =	shalt  }
0x48: {  	_ =	shalt  }
0x49: {  	_ =	shalt  }
0x4a: {  	_ =	shalt  }
0x4b: {  	_ =	shalt  }
0x4c: {  	_ =	shalt  }
0x4d: {  	_ =	shalt  }
0x4e: {  	_ =	shalt  }
0x4f: {  	_ =	shalt  }
0x50: {  	_ =	shalt  }
0x51: {  	_ =	shalt  }
0x52: {  	_ =	shalt  }
0x53: {  	_ =	shalt  }
0x54: {  	_ =	shalt  }
0x55: {  	_ =	shalt  }
0x56: {  	_ =	shalt  }
0x57: {  	_ =	shalt  }
0x58: {  	_ =	shalt  }
0x59: {  	_ =	shalt  }
0x5a: {  	_ =	shalt  }
0x5b: {  	_ =	shalt  }
0x5c: {  	_ =	shalt  }
0x5d: {  	_ =	shalt  }
0x5e: {  	_ =	shalt  }
0x5f: {  	_ =	shalt  }
0x60: {  	_ =	shalt  }
0x61: {  	_ =	shalt  }
0x62: {  	_ =	shalt  }
0x63: {  	_ =	shalt  }
0x64: {  	_ =	shalt  }
0x65: {  	_ =	shalt  }
0x66: {  	_ =	shalt  }
0x67: {  	_ =	shalt  }
0x68: {  	_ =	shalt  }
0x69: {  	_ =	shalt  }
0x6a: {  	_ =	shalt  }
0x6b: {  	_ =	shalt  }
0x6c: {  	_ =	shalt  }
0x6d: {  	_ =	shalt  }
0x6e: {  	_ =	shalt  }
0x6f: {  	_ =	shalt  }
0x70: {  	_ =	shalt  }
0x71: {  	_ =	shalt  }
0x72: {  	_ =	shalt  }
0x73: {  	_ =	shalt  }
0x74: {  	_ =	shalt  }
0x75: {  	_ =	shalt  }
0x76: {  	_ =	shalt  }
0x77: {  	_ =	shalt  }
0x78: {  	_ =	shalt  }
0x79: {  	_ =	shalt  }
0x7a: {  	_ =	shalt  }
0x7b: {  	_ =	shalt  }
0x7c: {  	_ =	shalt  }
0x7d: {  	_ =	shalt  }
0x7e: {  	_ =	shalt  }
0x7f: {  	_ =	shalt  }
0x80: {  	_ =	shalt  }
0x81: {  	_ =	shalt  }
0x82: {  	_ =	shalt  }
0x83: {  	_ =	shalt  }
0x84: {  	_ =	shalt  }
0x85: {  	_ =	shalt  }
0x86: {  	_ =	shalt  }
0x87: {  	_ =	shalt  }
.Lfunc_end0:
.L_simem_size_0:
called_computation_lowered:
.L_overlay_start_0:
0x88: {  	s0 =	sld [smem:$0x3FD9]  }
0x89: {  	s1 =	sld [smem:$0x3FFE];
	_ =	sdelay $0x3  }
0x8a: {  	s0 =	sadd.s32 s1, s0  }
0x8b: {  	[smem:$0x3FC4] =	sst s0  }
0x8c: {  	_ = 	snop  }
0x8d: {  	s0 =	sld [smem:$0x3FD0];
	(tm) =	ssettm $0x1  }
0x8e: {  	s16 =	sld [smem:$0x3FFB];
	_ =	sdelay $0x3  }
0x8f: {  	_ =	strace s16  }
0x90: {  	s1 =	sld [smem:$0x3FFC];
	_ =	sdelay $0x3  }
0x91: {  	_ =	strace s1  }
0x92: {  	s1 =	sld [smem:$0x3FFD];
	_ =	sdelay $0x3  }
0x93: {  	_ =	strace s1  }
0x94: {  	_ =	strace $0x8FFFFFFF  }
0x95: {  	s17 =	sld [smem:$0x3FDB];
	_ =	sdelay $0x1  }
0x96: {  	s2 =	simm.s32 $_scs_section_size  }
0x97: {  	s3 =	simm.s32 $_size__tile_overlayer_lowered;
	s4 =	simm.s32 $_tile_overlayer_lowered  }
0x98: {  	s20 =	simm.s32 $0x1BFF;
	s19 =	sshll.u32 s4, $0x1;
	s1 =	sadd.s32 s2, s17  }
0x99: {  	s5 =	simm.s32 $0x0;
	s18 =	sshll.u32 s3, $0x1;
	s3 =	sadd.s32 s19, s1  }
0x9a: {  	[timem:s5], [sflag:s20] =	dma.local [hbm:s3], s18  }
0x9b: {  	_ =	swait.ge [sflag:s20], s18  }
0x9c: {  	s2 =	ssub.s32 $0x0, s18;
	[sflag:s20] =	ssyncset.done $0x0  }
0x9d: {  	[sflag:s20] =	ssyncadd.s32 s2;
	_ =	sdelay $0x1  }
0x9e: {  	s21 =	simm.s32 $0x1B8B  }
0x9f: {  	_ =	swait.ge [sflag:s21], $0x1  }
0xa0: {  	[sflag:s21] =	ssyncset.done $0x0  }
0xa1: {  	s23 =	simm.s32 $0x1B8E;
	s22 =	sld [smem:$0x3FFE];
	[sflag:s21] =	ssyncadd.s32 $0xFFFFFFFF  }
0xa2: {  	s24 =	simm.s32 $execute0_lowered;
	[smem:$0x3FD2] =	sst s23  }
0xa3: {  	s3 =	sshll.u32 s24, $0x1;
	_ =	strace $0x80000046;
	[dreg:$0x1] =	wrdreg $0xFFFFFFFF  }
0xa4: {  	s25 =	simm.s32 $_size_execute0_lowered;
	s1 =	sadd.s32 s1, s3;
	[dreg:$0x0] =	wrdreg $0x0  }
0xa5: {  	s3 =	sshll.u32 s25, $0x1;
	[dreg:$0x2] =	wrdreg s1  }
0xa6: {  	[dreg:$0x3] =	wrdreg s3  }
0xa7: {  	[dreg:$0x4] =	wrdreg $0xC0  }
0xa8: {  	_ =	task [dreg:s5], $0x5FFFF  }
0xa9: {  	[dreg:$0x1] =	wrdreg $0xFFFFFFFF  }
0xaa: {  	[dreg:$0x0] =	wrdreg $0x60  }
0xab: {  	[dreg:$0x2] =	wrdreg s22  }
0xac: {  	[dreg:$0x3] =	wrdreg s0  }
0xad: {  	[dreg:$0x4] =	wrdreg $0x9  }
0xae: {  	_ =	task.clear_ibuf [dreg:s5], $0x5FFFF;
	_ =	strace $0x90000046  }
0xaf: {  	s26 =	simm.s32 $0x9;
	_ =	strace $0x80000048  }
0xb0: {  	_ =	swait.ge [sflag:s26], $0x1  }
0xb1: {  	[sflag:s26] =	ssyncadd.s32 $0xFFFFFFFF  }
0xb2: {  	_ =	strace $0x90000048  }
0xb3: {  	_ =	sfence  }
0xb4: {  	s28 =	sld [smem:$0x0];
	_ =	sdelay $0x1  }
0xb5: {  	s29 =	srdreg.scid  }
0xb6: {  	s30 =	sshll.u32 s29, $0xD;
	s31 =	sshrl.u32 s29, $0x2  }
0xb7: {  	s2 =	sand.u32 $0x4000, s30;
	s1 =	sand.u32 $0x1, s29;
	s0 =	sadd.s32 s31, s28  }
0xb8: {  	s1 =	sor.u32 s2, s1;
	s0 =	sshll.u32 s0, $0x11  }
0xb9: {  	s0 =	sor.u32 s0, s1  }
0xba: {  	s0 =	sadd.s32 $0x8F2B, s0  }
0xbb: {  	[sflag:s0] =	ssyncadd.remote.s32 $0x1  }
0xbc: {  	_ =	sfence.sel $0xFFFF  }
0xbd: {  	[dreg:$0x0] =	wrdreg $0xFFFFFFFF;
	(pc) =	sbr.abs _section_cstart, $3  }
0xbe: {  	[dreg:$0x1] =	wrdreg $0xFFFFFFFF  }
0xbf: {  	_ =	task.clear_ibuf [dreg:s5], $0x2FFFF;
	_ =	strace $0x9FFFFFFF  }
0xc0: {  	(tm) =	ssettm $0x7FFFFFFF  }
0xc1: {  	_ =	shalt  }
tec
execute0_lowered:
.L_overlay_start_1:
0x0: {  	(tag) =	ssettag $0x1  }
0x1: {  	s5 =	rddreg [dreg:$0x0]  }
0x2: {  	s6 =	rddreg [dreg:$0x1]  }
0x3: {  	s0 =	rddreg [dreg:$0x2];
	_ =	strace $0x80000047;
	s7 =	stileid.u32  }
0x4: {  	s3 =	simm.s32 $0x3E;
	s1 =	sadd.s32 $0x600, s5;
	p0 =	sne.s32 s7, $0x0  }
0x5: {  	[sflag:s3] =	ssyncpa.u1 $0x0;
	s4 =	simm.s32 @!p0 $0x1C3E;
	s2 =	simm.s32 @!p0 $0x0  }
0x6: {  	[spmem:s2], [sflag:s4] =	dma.local @!p0 [hbm:s1], $0x10  }
0x7: {  	s4 =	simm.s32 @!p0 $0x3E  }
0x8: {  	_ =	swait.ge @!p0 [sflag:s4], $0x10  }
0x9: {  	[sflag:s4] =	ssyncset.done @!p0 $0x0  }
0xa: {  	[sflag:s4] =	ssyncadd.s32 @!p0 $0xFFFFFFF0  }
0xb: {  	s9 =	simm.s32 $0x108;
	s8 =	sadd.s32 $0x800, s5;
	[bflag:$0x0] =	sbarrier.arrive $0xFFFF  }
0xc: {  	s7 =	sshll.u32 s7, $0x5;
	[sflag:s3] =	ssyncpa.u1 $0x1;
	s3 =	simm.s32 $0x1  }
0xd: {  	s5 =	simm.s32 $0x0;
	s4 =	simm.s32 $0x2;
	[sflag:s3] =	ssyncpa.u1 $0x0  }
0xe: {  	s6 =	sadd.s32 s6, s7;
	(ifvalue) =	ssetifvalue $0x80;
	[sflag:s4] =	ssyncpa.u1 $0x0  }
0xf: {  	[tilespmem:s9], [sflag:$0x2] =	stream.linear.gather [hbm4b:s6+s5], $0x100, $0x38;
	[tilespmem:$0x408] =	vst v63  }
0x10: {  	s23 =	simm.s32 $0x308;
	s22 =	sadd.s32 s8, s7  }
0x11: {  	[tilespmem:s23], [sflag:$0x2] =	stream.linear.gather [hbm4b:s22+s5], $0x100, $0x38;
	[tilespmem:$0x408] =	vst v63  }
0x12: {  	_ =	swait.ge [sflag:s4], $0x200  }
0x13: {  	[sflag:s4] =	ssyncset.done $0x0  }
0x14: {  	[sflag:s4] =	ssyncadd.s32 $0xFFFFFE00  }
0x15: {  	v0 =	vld.msk [tilespmem:s9+$0x0 ss:$0x1], $0xffff;
	_ =	sdelay $0x4  }
0x16: {  	v0 =	vmin.u32 v0, $0x80;
	_ =	sdelay $0x3  }
0x17: {  	vm0 =	vmmov $0xffff;
	s24 =	simm.s32 $0x118  }
0x18: {  	[spmem:s5] =	stream.indirect_vreg.scatter.add.s32 [tilespmem:s23], [sflag:$0x1], $0x1, v0, vm0, $0x4038;
	[tilespmem:$0x408] =	vst v63  }
0x19: {  	v0 =	vld.msk [tilespmem:s24+$0x0 ss:$0x1], $0xffff;
	_ =	sdelay $0x4  }
0x1a: {  	v0 =	vmin.u32 v0, $0x80;
	_ =	sdelay $0x3  }
0x1b: {  	s25 =	simm.s32 $0x318;
	s26 =	simm.s32 $0x128  }
0x1c: {  	[spmem:s5] =	stream.indirect_vreg.scatter.add.s32 [tilespmem:s25], [sflag:$0x1], $0x1, v0, vm0, $0x4038;
	[tilespmem:$0x408] =	vst v63  }
0x1d: {  	v0 =	vld.msk [tilespmem:s26+$0x0 ss:$0x1], $0xffff;
	_ =	sdelay $0x4  }
0x1e: {  	v0 =	vmin.u32 v0, $0x80;
	_ =	sdelay $0x3  }
0x1f: {  	s28 =	simm.s32 $0x328;
	s29 =	simm.s32 $0x138  }
0x20: {  	[spmem:s5] =	stream.indirect_vreg.scatter.add.s32 [tilespmem:s28], [sflag:$0x1], $0x1, v0, vm0, $0x4038;
	[tilespmem:$0x408] =	vst v63  }
0x21: {  	v0 =	vld.msk [tilespmem:s29+$0x0 ss:$0x1], $0xffff;
	_ =	sdelay $0x4  }
0x22: {  	v0 =	vmin.u32 v0, $0x80;
	_ =	sdelay $0x3  }
0x23: {  	s30 =	simm.s32 $0x338;
	s31 =	simm.s32 $0x148  }
0x24: {  	[spmem:s5] =	stream.indirect_vreg.scatter.add.s32 [tilespmem:s30], [sflag:$0x1], $0x1, v0, vm0, $0x4038;
	[tilespmem:$0x408] =	vst v63  }
0x25: {  	v0 =	vld.msk [tilespmem:s31+$0x0 ss:$0x1], $0xffff;
	_ =	sdelay $0x4  }
0x26: {  	v0 =	vmin.u32 v0, $0x80;
	_ =	sdelay $0x3  }
0x27: {  	s7 =	simm.s32 $0x348;
	s8 =	simm.s32 $0x158  }
0x28: {  	[spmem:s5] =	stream.indirect_vreg.scatter.add.s32 [tilespmem:s7], [sflag:$0x1], $0x1, v0, vm0, $0x4038;
	[tilespmem:$0x408] =	vst v63  }
0x29: {  	v0 =	vld.msk [tilespmem:s8+$0x0 ss:$0x1], $0xffff;
	_ =	sdelay $0x4  }
0x2a: {  	v0 =	vmin.u32 v0, $0x80;
	_ =	sdelay $0x3  }
0x2b: {  	s10 =	simm.s32 $0x168;
	s9 =	simm.s32 $0x358  }
0x2c: {  	[spmem:s5] =	stream.indirect_vreg.scatter.add.s32 [tilespmem:s9], [sflag:$0x1], $0x1, v0, vm0, $0x4038;
	[tilespmem:$0x408] =	vst v63  }
0x2d: {  	v0 =	vld.msk [tilespmem:s10+$0x0 ss:$0x1], $0xffff;
	_ =	sdelay $0x4  }
0x2e: {  	v0 =	vmin.u32 v0, $0x80;
	_ =	sdelay $0x3  }
0x2f: {  	s11 =	simm.s32 $0x368;
	s12 =	simm.s32 $0x178  }
0x30: {  	[spmem:s5] =	stream.indirect_vreg.scatter.add.s32 [tilespmem:s11], [sflag:$0x1], $0x1, v0, vm0, $0x4038;
	[tilespmem:$0x408] =	vst v63  }
0x31: {  	v0 =	vld.msk [tilespmem:s12+$0x0 ss:$0x1], $0xffff;
	_ =	sdelay $0x4  }
0x32: {  	v0 =	vmin.u32 v0, $0x80;
	_ =	sdelay $0x3  }
0x33: {  	s13 =	simm.s32 $0x378;
	s14 =	simm.s32 $0x188  }
0x34: {  	[spmem:s5] =	stream.indirect_vreg.scatter.add.s32 [tilespmem:s13], [sflag:$0x1], $0x1, v0, vm0, $0x4038;
	[tilespmem:$0x408] =	vst v63  }
0x35: {  	v0 =	vld.msk [tilespmem:s14+$0x0 ss:$0x1], $0xffff;
	_ =	sdelay $0x4  }
0x36: {  	v0 =	vmin.u32 v0, $0x80;
	_ =	sdelay $0x3  }
0x37: {  	s15 =	simm.s32 $0x388;
	s16 =	simm.s32 $0x198  }
0x38: {  	[spmem:s5] =	stream.indirect_vreg.scatter.add.s32 [tilespmem:s15], [sflag:$0x1], $0x1, v0, vm0, $0x4038;
	[tilespmem:$0x408] =	vst v63  }
0x39: {  	v0 =	vld.msk [tilespmem:s16+$0x0 ss:$0x1], $0xffff;
	_ =	sdelay $0x4  }
0x3a: {  	v0 =	vmin.u32 v0, $0x80;
	_ =	sdelay $0x3  }
0x3b: {  	s17 =	simm.s32 $0x398;
	s18 =	simm.s32 $0x1A8  }
0x3c: {  	[spmem:s5] =	stream.indirect_vreg.scatter.add.s32 [tilespmem:s17], [sflag:$0x1], $0x1, v0, vm0, $0x4038;
	[tilespmem:$0x408] =	vst v63  }
0x3d: {  	v0 =	vld.msk [tilespmem:s18+$0x0 ss:$0x1], $0xffff;
	_ =	sdelay $0x4  }
0x3e: {  	v0 =	vmin.u32 v0, $0x80;
	_ =	sdelay $0x3  }
0x3f: {  	s19 =	simm.s32 $0x3A8;
	s20 =	simm.s32 $0x1B8  }
0x40: {  	[spmem:s5] =	stream.indirect_vreg.scatter.add.s32 [tilespmem:s19], [sflag:$0x1], $0x1, v0, vm0, $0x4038;
	[tilespmem:$0x408] =	vst v63  }
0x41: {  	v0 =	vld.msk [tilespmem:s20+$0x0 ss:$0x1], $0xffff;
	_ =	sdelay $0x4  }
0x42: {  	v0 =	vmin.u32 v0, $0x80;
	_ =	sdelay $0x3  }
0x43: {  	s21 =	simm.s32 $0x3B8;
	s22 =	simm.s32 $0x1C8  }
0x44: {  	[spmem:s5] =	stream.indirect_vreg.scatter.add.s32 [tilespmem:s21], [sflag:$0x1], $0x1, v0, vm0, $0x4038;
	[tilespmem:$0x408] =	vst v63  }
0x45: {  	v0 =	vld.msk [tilespmem:s22+$0x0 ss:$0x1], $0xffff;
	_ =	sdelay $0x4  }
0x46: {  	v0 =	vmin.u32 v0, $0x80;
	_ =	sdelay $0x3  }
0x47: {  	s23 =	simm.s32 $0x3C8;
	s24 =	simm.s32 $0x1D8  }
0x48: {  	[spmem:s5] =	stream.indirect_vreg.scatter.add.s32 [tilespmem:s23], [sflag:$0x1], $0x1, v0, vm0, $0x4038;
	[tilespmem:$0x408] =	vst v63  }
0x49: {  	v0 =	vld.msk [tilespmem:s24+$0x0 ss:$0x1], $0xffff;
	_ =	sdelay $0x4  }
0x4a: {  	v0 =	vmin.u32 v0, $0x80;
	_ =	sdelay $0x3  }
0x4b: {  	s25 =	simm.s32 $0x3D8;
	s26 =	simm.s32 $0x1E8  }
0x4c: {  	[spmem:s5] =	stream.indirect_vreg.scatter.add.s32 [tilespmem:s25], [sflag:$0x1], $0x1, v0, vm0, $0x4038;
	[tilespmem:$0x408] =	vst v63  }
0x4d: {  	v0 =	vld.msk [tilespmem:s26+$0x0 ss:$0x1], $0xffff;
	_ =	sdelay $0x4  }
0x4e: {  	v0 =	vmin.u32 v0, $0x80;
	_ =	sdelay $0x3  }
0x4f: {  	s28 =	simm.s32 $0x3E8;
	s29 =	simm.s32 $0x1F8  }
0x50: {  	[spmem:s5] =	stream.indirect_vreg.scatter.add.s32 [tilespmem:s28], [sflag:$0x1], $0x1, v0, vm0, $0x4038;
	[tilespmem:$0x408] =	vst v63  }
0x51: {  	v0 =	vld.msk [tilespmem:s29+$0x0 ss:$0x1], $0xffff;
	_ =	sdelay $0x4  }
0x52: {  	v0 =	vmin.u32 v0, $0x80;
	_ =	sdelay $0x3  }
0x53: {  	s30 =	simm.s32 $0x3F8  }
0x54: {  	[spmem:s5] =	stream.indirect_vreg.scatter.add.s32 [tilespmem:s30], [sflag:$0x1], $0x1, v0, vm0, $0x4038;
	[tilespmem:$0x408] =	vst v63  }
0x55: {  	_ =	swait.ge [sflag:s3], $0x100  }
0x56: {  	[sflag:s3] =	ssyncset.done $0x0  }
0x57: {  	[sflag:s3] =	ssyncadd.s32 $0xFFFFFF00  }
0x58: {  	_ =	sfence.sel $0x180000  }
0x59: {  	[bflag:$0x0] =	sbarrier.arrive $0xFFFF  }
0x5a: {  	[sflag:s4] =	ssyncpa.u1 $0x1  }
0x5b: {  	[sflag:s3] =	ssyncpa.u1 $0x1  }
0x5c: {  	_ =	sfence.stream.spmem  }
0x5d: {  	s31 =	simm.s32 $0x3D;
	[bflag:$0x0] =	sbarrier.arrive $0xFFFF  }
0x5e: {  	s3 =	simm.s32 @p0 $0x3D;
	[sflag:s31] =	ssyncpa.u1 $0x0  }
0x5f: {  	[sflag:s3] =	ssyncpa.u1 @p0 $0x1  }
0x60: {  	[bflag:$0x0] =	sbarrier.arrive @p0 $0xFFFF  }
0x61: {  	_ =	strace @p0 $0x90000047  }
0x62: {  	s3 =	simm.s32 @!p0 $0x1C3D;
	[bflag:$0x2] =	sbarrier.arrive @p0 $0xFFFF  }
0x63: {  	[hbm:s1], [sflag:s3] =	dma.local @!p0 [spmem:s2], $0x10  }
0x64: {  	s1 =	simm.s32 @!p0 $0x3D  }
0x65: {  	_ =	swait.ge @!p0 [sflag:s1], $0x10  }
0x66: {  	[sflag:s1] =	ssyncset.done @!p0 $0x0  }
0x67: {  	[sflag:s1] =	ssyncadd.s32 @!p0 $0xFFFFFFF0  }
0x68: {  	[sflag:s1] =	ssyncpa.u1 @!p0 $0x1  }
0x69: {  	[bflag:$0x0] =	sbarrier.arrive @!p0 $0xFFFF  }
0x6a: {  	_ =	strace @!p0 $0x90000047  }
0x6b: {  	s0 =	sadd.s32 @!p0 $0x100000, s0;
	[bflag:$0x2] =	sbarrier.arrive @!p0 $0xFFFF  }
0x6c: {  	[sflag:s0] =	ssyncadd.tile.s32 @!p0 $0x1;
	_ =	shalt  }
.Lfunc_end2:
_tile_overlayer_lowered:
.L_overlay_start_2:
0x6d: {  	(tag) =	ssettag $0x2  }
0x6e: {  	s0 =	rddreg [dreg:$0x0];
	s2 =	stileid.u32  }
0x6f: {  	s1 =	rddreg [dreg:$0x1];
	p0 =	sne.s32 s2, $0x0  }
0x70: {  	s3 =	rddreg [dreg:$0x2];
	[bflag:$0x3] =	sbarrier.arrive $0xFFFF;
	s2 =	simm.s32 @!p0 $0x1C01  }
0x71: {  	[timem:s3], [sflag:s2] =	dma.local @!p0 [hbm:s0], s1  }
0x72: {  	s0 =	simm.s32 @!p0 $0x1  }
0x73: {  	_ =	swait.ge @!p0 [sflag:s0], s1  }
0x74: {  	s1 =	ssub.s32 @!p0 $0x0, s1;
	[sflag:s0] =	ssyncset.done @!p0 $0x0  }
0x75: {  	[sflag:s0] =	ssyncadd.s32 @!p0 s1  }
0x76: {  	[bflag:$0x3] =	sbarrier.arrive $0xFFFF  }
0x77: {  	_ =	shalt  }

</sc_bundles>
